<compile_context>
chip_gen: v7x
topology: tpu7x:2x2x1
jax: 0.10.2.dev20260603
libtpu: 0.0.44.dev20260713+nightly
codegen_flags: <defaults>
</compile_context>

<pallas_src>
import functools

import jax
import jax.numpy as jnp
from jax import lax
from jax.experimental import pallas as pl
from jax.experimental.pallas import tpu as pltpu
from jax.experimental.pallas import tpu_sc as plsc

_N = 10000
_E = 320000
_D = 128
_H = 32
_OUT = 64
_G = 16

_NC = 2
_NS = 16
_NW = _NC * _NS
_EP = _E // _NW
_WCH = 125
_NWIN = _EP // _WCH
_NP = 10112
_RP = _NP // _NS
_DW = 8

_mesh = plsc.VectorSubcoreMesh(core_axis_name="c", subcore_axis_name="s")


@functools.partial(
    pl.kernel,
    out_type=jax.ShapeDtypeStruct((_NC, _NP, _DW), jnp.float32),
    mesh=_mesh,
    compiler_params=pltpu.CompilerParams(use_tc_tiling_on_sc=False),
    scratch_types=[
        pltpu.VMEM((_NWIN, _WCH), jnp.int32),
        pltpu.VMEM((_WCH, _DW), jnp.float32),
        pltpu.VMEM_SHARED((_NP, _DW), jnp.float32),
    ],
)
def _deg_sc(dst_hbm, ones_hbm, zeros_hbm, out_hbm, idx_v, ones_v, acc_sh):
    c = lax.axis_index("c")
    s = lax.axis_index("s")
    wid = s * _NC + c
    base = pl.multiple_of(s * _RP, 8)
    pltpu.sync_copy(dst_hbm.at[wid], idx_v)
    pltpu.sync_copy(ones_hbm, ones_v)
    pltpu.sync_copy(zeros_hbm.at[pl.ds(base, _RP)], acc_sh.at[pl.ds(base, _RP)])
    plsc.subcore_barrier()

    def body(j, carry):
        pltpu.sync_copy(ones_v, acc_sh.at[idx_v.at[j]], add=True)
        return carry

    lax.fori_loop(0, _NWIN, body, 0)
    plsc.subcore_barrier()
    pltpu.sync_copy(acc_sh.at[pl.ds(base, _RP)], out_hbm.at[c, pl.ds(base, _RP)])


@functools.partial(
    pl.kernel,
    out_type=jax.ShapeDtypeStruct((_NC, _NP, _H), jnp.float32),
    mesh=_mesh,
    compiler_params=pltpu.CompilerParams(use_tc_tiling_on_sc=False),
    scratch_types=[
        pltpu.VMEM((_NWIN, _WCH), jnp.int32),
        pltpu.VMEM((_NWIN, _WCH), jnp.int32),
        pltpu.VMEM((_WCH, _H), jnp.float32),
        pltpu.VMEM((_WCH, _H), jnp.float32),
        pltpu.VMEM_SHARED((_NP, _H), jnp.float32),
        pltpu.VMEM_SHARED((_NP, _H), jnp.float32),
        pltpu.SemaphoreType.DMA,
        pltpu.SemaphoreType.DMA,
    ],
)
def _agg_sc(p_hbm, src_hbm, dst_hbm, zeros_hbm, out_hbm,
            si_v, di_v, r0, r1, acc_sh, p_sh, sem0, sem1):
    c = lax.axis_index("c")
    s = lax.axis_index("s")
    wid = s * _NC + c
    base = pl.multiple_of(s * _RP, 8)
    pltpu.sync_copy(src_hbm.at[wid], si_v)
    pltpu.sync_copy(dst_hbm.at[wid], di_v)
    pltpu.sync_copy(p_hbm.at[pl.ds(base, _RP)], p_sh.at[pl.ds(base, _RP)])
    pltpu.sync_copy(zeros_hbm.at[pl.ds(base, _RP)], acc_sh.at[pl.ds(base, _RP)])
    plsc.subcore_barrier()

    pltpu.async_copy(p_sh.at[si_v.at[0]], r0, sem0)

    def body(i, carry):
        j0 = 2 * i
        j1 = j0 + 1
        pltpu.async_copy(p_sh.at[si_v.at[j1]], r1, sem1)
        pltpu.make_async_copy(p_sh.at[si_v.at[j0]], r0, sem0).wait()
        pltpu.sync_copy(r0, acc_sh.at[di_v.at[j0]], add=True)

        @pl.when(j0 + 2 < _NWIN)
        def _():
            pltpu.async_copy(p_sh.at[si_v.at[j0 + 2]], r0, sem0)

        pltpu.make_async_copy(p_sh.at[si_v.at[j1]], r1, sem1).wait()
        pltpu.sync_copy(r1, acc_sh.at[di_v.at[j1]], add=True)
        return carry

    lax.fori_loop(0, _NWIN // 2, body, 0)
    plsc.subcore_barrier()
    pltpu.sync_copy(acc_sh.at[pl.ds(base, _RP)], out_hbm.at[c, pl.ds(base, _RP)])


def _dinv_from(degp):
    deg = degp[0, :_N, 0] + degp[1, :_N, 0] + 1.0
    return lax.rsqrt(jnp.maximum(deg, 1.0))


_BLK = 2000


def _dense1_body(degp_ref, x_ref, w1_ref, out_ref):
    deg = degp_ref[0, :, 0] + degp_ref[1, :, 0] + 1.0
    dinv = lax.rsqrt(jnp.maximum(deg, 1.0))
    h = jnp.dot(x_ref[...], w1_ref[...], preferred_element_type=jnp.float32)
    out_ref[...] = h * dinv[:, None]


def _dense_mid_body(agg_ref, p_ref, degp_ref, b_ref, w_ref, out_ref):
    deg = degp_ref[0, :, 0] + degp_ref[1, :, 0] + 1.0
    dinv = lax.rsqrt(jnp.maximum(deg, 1.0))
    a = agg_ref[...]
    z = jnp.maximum((a[0] + a[1] + p_ref[...]) * dinv[:, None] + b_ref[...][None, :], 0.0)
    h = jnp.dot(z, w_ref[...], preferred_element_type=jnp.float32)
    out_ref[...] = h * dinv[:, None]


def _dense_out_body(agg_ref, p_ref, degp_ref, b_ref, batch_ref, wo_ref, bo_ref, out_ref):
    dinv = _dinv_from(degp_ref[...])
    a = agg_ref[...]
    p = p_ref[...][: _N]
    z = jnp.maximum((a[0, :_N] + a[1, :_N] + p) * dinv[:, None] + b_ref[...][None, :], 0.0)
    oh = (batch_ref[...][:, None] == lax.broadcasted_iota(jnp.int32, (1, _G), 1)
          ).astype(jnp.float32)
    counts = jnp.sum(oh, axis=0)
    summed = lax.dot_general(oh, z, (((0,), (0,)), ((), ())),
                             preferred_element_type=jnp.float32)
    pooled = summed / jnp.maximum(counts, 1.0)[:, None]
    out_ref[...] = (jnp.dot(pooled, wo_ref[...], preferred_element_type=jnp.float32)
                    + bo_ref[...][None, :])


_dense1 = pl.pallas_call(
    _dense1_body,
    grid=(_N // _BLK,),
    in_specs=[
        pl.BlockSpec((2, _BLK, _DW), lambda i: (0, i, 0)),
        pl.BlockSpec((_BLK, _D), lambda i: (i, 0)),
        pl.BlockSpec((_D, _H), lambda i: (0, 0)),
    ],
    out_specs=pl.BlockSpec((_BLK, _H), lambda i: (i, 0)),
    out_shape=jax.ShapeDtypeStruct((_NP, _H), jnp.float32))
_dense_mid = pl.pallas_call(
    _dense_mid_body,
    grid=(_N // _BLK,),
    in_specs=[
        pl.BlockSpec((2, _BLK, _H), lambda i: (0, i, 0)),
        pl.BlockSpec((_BLK, _H), lambda i: (i, 0)),
        pl.BlockSpec((2, _BLK, _DW), lambda i: (0, i, 0)),
        pl.BlockSpec((_H,), lambda i: (0,)),
        pl.BlockSpec((_H, _H), lambda i: (0, 0)),
    ],
    out_specs=pl.BlockSpec((_BLK, _H), lambda i: (i, 0)),
    out_shape=jax.ShapeDtypeStruct((_NP, _H), jnp.float32))
_dense_out = pl.pallas_call(
    _dense_out_body, out_shape=jax.ShapeDtypeStruct((_G, _OUT), jnp.float32))


def kernel(x, edge_index, batch, W1, b1, W2, b2, Wo, bo):
    src = edge_index[0].reshape(_NW, _NWIN, _WCH)
    dst = edge_index[1].reshape(_NW, _NWIN, _WCH)
    zeros_h = jnp.zeros((_NP, _H), jnp.float32)
    zeros_d = jnp.zeros((_NP, _DW), jnp.float32)
    ones_w = jnp.ones((_WCH, _DW), jnp.float32)

    degp = _deg_sc(dst, ones_w, zeros_d)
    p1 = _dense1(degp, x, W1)
    agg1 = _agg_sc(p1, src, dst, zeros_h)
    p2 = _dense_mid(agg1, p1, degp, b1, W2)
    agg2 = _agg_sc(p2, src, dst, zeros_h)
    return _dense_out(agg2, p2, degp, b2, batch, Wo, bo)

# --- scband reference (transcript-rebuilt; emitter-appended) ---
"""Pipeline reference for scband-policy-network-8933531976343 (READ-ONLY COPY).

The authoritative reference and input builder live on the scoring server;
editing this copy changes nothing except your own understanding.
"""

import jax, jax.numpy as jnp
import numpy as np

N = 10000
E = 320000
D = 128
H = 32
OUT = 64
G = 16


def setup_inputs(seed: int = 0) -> dict:
    key = jax.random.key(seed)
    ks = jax.random.split(key, 9)
    x = jax.random.normal(ks[0], (N, D), dtype=jnp.float32)
    edge_index = jax.random.randint(ks[1], (2, E), 0, N, dtype=jnp.int32)
    batch = jnp.sort(jax.random.randint(ks[2], (N,), 0, G, dtype=jnp.int32))
    W1 = jax.random.normal(ks[3], (D, H), dtype=jnp.float32) * 0.05
    b1 = jnp.zeros((H,), dtype=jnp.float32)
    W2 = jax.random.normal(ks[4], (H, H), dtype=jnp.float32) * 0.05
    b2 = jnp.zeros((H,), dtype=jnp.float32)
    Wo = jax.random.normal(ks[5], (H, OUT), dtype=jnp.float32) * 0.05
    bo = jnp.zeros((OUT,), dtype=jnp.float32)
    return {"x": x, "edge_index": edge_index, "batch": batch,
            "W1": W1, "b1": b1, "W2": W2, "b2": b2, "Wo": Wo, "bo": bo}


def _gcn_conv(x, edge_index, W, b):
    # GCNConv: add self-loops, symmetric normalization, then scatter-add aggregation
    loop = jnp.arange(N, dtype=edge_index.dtype)
    src = jnp.concatenate([edge_index[0], loop])
    dst = jnp.concatenate([edge_index[1], loop])
    deg = jax.ops.segment_sum(jnp.ones_like(src, dtype=jnp.float32), dst, num_segments=N)
    dinv = jax.lax.rsqrt(jnp.maximum(deg, 1.0))
    norm = dinv[src] * dinv[dst]
    h = x @ W
    msg = h[src] * norm[:, None]
    out = jax.ops.segment_sum(msg, dst, num_segments=N)
    return out + b


def reference(x, edge_index, batch, W1, b1, W2, b2, Wo, bo):
    h = jax.nn.relu(_gcn_conv(x, edge_index, W1, b1))
    h = jax.nn.relu(_gcn_conv(h, edge_index, W2, b2))
    counts = jax.ops.segment_sum(jnp.ones((N,), dtype=jnp.float32), batch, num_segments=G)
    summed = jax.ops.segment_sum(h, batch, num_segments=G)
    pooled = summed / jnp.maximum(counts, 1.0)[:, None]
    return pooled @ Wo + bo

if __name__ == "__main__":
    import jax
    _d = setup_inputs()
    print(jax.jit(kernel)(*tuple(_d.values())))

</pallas_src>

<mosaic_0001>
#map = affine_map<(d0, d1) -> (0, 0, 0)>
#map1 = affine_map<(d0, d1) -> (0, 0)>
module attributes {stable_mosaic.version = 14 : i64} {
  func.func @_deg_sc(%arg0: i32, %arg1: i32, %arg2: memref<32x80x125xi32, #tpu.memory_space<hbm>>, %arg3: memref<125x8xf32, #tpu.memory_space<hbm>>, %arg4: memref<10112x8xf32, #tpu.memory_space<hbm>>, %arg5: memref<2x10112x8xf32, #tpu.memory_space<hbm>>, %arg6: memref<80x125xi32, #tpu.memory_space<vmem>>, %arg7: memref<125x8xf32, #tpu.memory_space<vmem>>, %arg8: memref<10112x8xf32, #tpu.memory_space<vmem_shared>>) attributes {dimension_semantics = [#tpu.dimension_semantics<core_parallel>, #tpu.dimension_semantics<subcore_parallel>], iteration_bounds = array<i64: 2, 16>, scalar_prefetch = 0 : i64, scratch_operands = 3 : i64, tpu.core_type = #tpu.core_type<sc_vector_subcore>, window_params = [{transform_indices = #map}, {transform_indices = #map1}, {transform_indices = #map1}, {transform_indices = #map}]} {
    %mul3A = arith.constant 2 : i32
    %mul3A_0 = arith.muli %arg1, %mul3A : i32
    %add3A = arith.addi %mul3A_0, %arg0 : i32
    %mul3A_1 = arith.constant 632 : i32
    %mul3A_2 = arith.muli %arg1, %mul3A_1 : i32
    %multiple_of3A = tpu.assume_multiple %mul3A_2, 8 : i32
    "tpu.region"() ({
      %run_scoped3A = tpu.sem_alloc : memref<!tpu.dma_semaphore, #tpu.memory_space<semaphore_mem>>
      %dma_start3A = arith.constant 0 : i32
      %dma_start3A_9 = arith.constant 0 : i32
      %dma_start3A_10 = tpu.memref_slice %arg2[%add3A, %dma_start3A, %dma_start3A_9] : memref<32x80x125xi32, #tpu.memory_space<hbm>> -> memref<1x80x125xi32, #tpu.memory_space<hbm>>
      %dma_start3A_11 = tpu.memref_squeeze %dma_start3A_10 : memref<1x80x125xi32, #tpu.memory_space<hbm>> -> memref<80x125xi32, #tpu.memory_space<hbm>>
      %dma_start3A_12 = arith.constant 0 : i32
      %dma_start3A_13 = arith.constant 0 : i32
      %dma_start3A_14 = tpu.memref_slice %arg2[%add3A, %dma_start3A_12, %dma_start3A_13] : memref<32x80x125xi32, #tpu.memory_space<hbm>> -> memref<1x80x125xi32, #tpu.memory_space<hbm>>
      %dma_start3A_15 = tpu.memref_squeeze %dma_start3A_14 : memref<1x80x125xi32, #tpu.memory_space<hbm>> -> memref<80x125xi32, #tpu.memory_space<hbm>>
      tpu.enqueue_dma source(%dma_start3A_15 : memref<80x125xi32, #tpu.memory_space<hbm>>) target(%arg6 : memref<80x125xi32, #tpu.memory_space<vmem>>) target_semaphore(%run_scoped3A : memref<!tpu.dma_semaphore, #tpu.memory_space<semaphore_mem>>)
      %dma_wait3A = arith.constant 0 : i32
      %dma_wait3A_16 = arith.constant 0 : i32
      %dma_wait3A_17 = tpu.memref_slice %arg2[%add3A, %dma_wait3A, %dma_wait3A_16] : memref<32x80x125xi32, #tpu.memory_space<hbm>> -> memref<1x80x125xi32, #tpu.memory_space<hbm>>
      %dma_wait3A_18 = tpu.memref_squeeze %dma_wait3A_17 : memref<1x80x125xi32, #tpu.memory_space<hbm>> -> memref<80x125xi32, #tpu.memory_space<hbm>>
      %dma_wait3A_19 = arith.constant 0 : i32
      %dma_wait3A_20 = arith.constant 0 : i32
      %dma_wait3A_21 = tpu.memref_slice %arg2[%add3A, %dma_wait3A_19, %dma_wait3A_20] : memref<32x80x125xi32, #tpu.memory_space<hbm>> -> memref<1x80x125xi32, #tpu.memory_space<hbm>>
      %dma_wait3A_22 = tpu.memref_squeeze %dma_wait3A_21 : memref<1x80x125xi32, #tpu.memory_space<hbm>> -> memref<80x125xi32, #tpu.memory_space<hbm>>
      tpu.wait_dma2 semaphore(%run_scoped3A : memref<!tpu.dma_semaphore, #tpu.memory_space<semaphore_mem>>) src(%dma_wait3A_22 : memref<80x125xi32, #tpu.memory_space<hbm>>) dst(%arg6 : memref<80x125xi32, #tpu.memory_space<vmem>>)
      tpu.yield
    }) : () -> ()
    "tpu.region"() ({
      %run_scoped3A = tpu.sem_alloc : memref<!tpu.dma_semaphore, #tpu.memory_space<semaphore_mem>>
      tpu.enqueue_dma source(%arg3 : memref<125x8xf32, #tpu.memory_space<hbm>>) target(%arg7 : memref<125x8xf32, #tpu.memory_space<vmem>>) target_semaphore(%run_scoped3A : memref<!tpu.dma_semaphore, #tpu.memory_space<semaphore_mem>>)
      tpu.wait_dma2 semaphore(%run_scoped3A : memref<!tpu.dma_semaphore, #tpu.memory_space<semaphore_mem>>) src(%arg3 : memref<125x8xf32, #tpu.memory_space<hbm>>) dst(%arg7 : memref<125x8xf32, #tpu.memory_space<vmem>>)
      tpu.yield
    }) : () -> ()
    "tpu.region"() ({
      %run_scoped3A = tpu.sem_alloc : memref<!tpu.dma_semaphore, #tpu.memory_space<semaphore_mem>>
      %dma_start3A = arith.constant 0 : i32
      %dma_start3A_9 = tpu.memref_slice %arg8[%multiple_of3A, %dma_start3A] : memref<10112x8xf32, #tpu.memory_space<vmem_shared>> -> memref<632x8xf32, #tpu.memory_space<vmem_shared>>
      %dma_start3A_10 = arith.constant 0 : i32
      %dma_start3A_11 = tpu.memref_slice %arg4[%multiple_of3A, %dma_start3A_10] : memref<10112x8xf32, #tpu.memory_space<hbm>> -> memref<632x8xf32, #tpu.memory_space<hbm>>
      tpu.enqueue_dma source(%dma_start3A_11 : memref<632x8xf32, #tpu.memory_space<hbm>>) target(%dma_start3A_9 : memref<632x8xf32, #tpu.memory_space<vmem_shared>>) target_semaphore(%run_scoped3A : memref<!tpu.dma_semaphore, #tpu.memory_space<semaphore_mem>>)
      %dma_wait3A = arith.constant 0 : i32
      %dma_wait3A_12 = tpu.memref_slice %arg8[%multiple_of3A, %dma_wait3A] : memref<10112x8xf32, #tpu.memory_space<vmem_shared>> -> memref<632x8xf32, #tpu.memory_space<vmem_shared>>
      %dma_wait3A_13 = arith.constant 0 : i32
      %dma_wait3A_14 = tpu.memref_slice %arg4[%multiple_of3A, %dma_wait3A_13] : memref<10112x8xf32, #tpu.memory_space<hbm>> -> memref<632x8xf32, #tpu.memory_space<hbm>>
      tpu.wait_dma2 semaphore(%run_scoped3A : memref<!tpu.dma_semaphore, #tpu.memory_space<semaphore_mem>>) src(%dma_wait3A_14 : memref<632x8xf32, #tpu.memory_space<hbm>>) dst(%dma_wait3A_12 : memref<632x8xf32, #tpu.memory_space<vmem_shared>>)
      tpu.yield
    }) : () -> ()
    %barrier3A = arith.constant 0 : index
    tpu.barrier barrier_id(%barrier3A)
    %scan3A = arith.constant 0 : i32
    %scan3A_3 = arith.constant 0 : i32
    %scan3A_4 = arith.constant 80 : i32
    %scan3A_5 = arith.addi %scan3A_3, %scan3A_4 : i32
    %scan3A_6 = arith.constant 1 : i32
    scf.for %scan3A_9 = %scan3A_3 to %scan3A_5 step %scan3A_6  : i32 {
      "tpu.region"() ({
        %run_scoped3A = tpu.sem_alloc : memref<!tpu.dma_semaphore, #tpu.memory_space<semaphore_mem>>
        %dma_start3A = arith.constant 0 : i32
        %dma_start3A_10 = tpu.memref_slice %arg6[%scan3A_9, %dma_start3A] : memref<80x125xi32, #tpu.memory_space<vmem>> -> memref<1x125xi32, #tpu.memory_space<vmem>>
        %dma_start3A_11 = tpu.memref_squeeze %dma_start3A_10 : memref<1x125xi32, #tpu.memory_space<vmem>> -> memref<125xi32, #tpu.memory_space<vmem>>
        %dma_start3A_12 = arith.constant 0 : i32
        %dma_start3A_13 = arith.constant 0 : i32
        %dma_start3A_14 = tpu.memref_slice %arg8[%dma_start3A_12, %dma_start3A_13] : memref<10112x8xf32, #tpu.memory_space<vmem_shared>> -> memref<10112x8xf32, #tpu.memory_space<vmem_shared>>
        tpu.enqueue_indirect_dma source(%arg7 : memref<125x8xf32, #tpu.memory_space<vmem>>) target(%dma_start3A_14 : memref<10112x8xf32, #tpu.memory_space<vmem_shared>>) offsets(%dma_start3A_11 : memref<125xi32, #tpu.memory_space<vmem>>) semaphore(%run_scoped3A : memref<!tpu.dma_semaphore, #tpu.memory_space<semaphore_mem>>) {add = true}
        %dma_wait3A = arith.constant 0 : i32
        %dma_wait3A_15 = tpu.memref_slice %arg6[%scan3A_9, %dma_wait3A] : memref<80x125xi32, #tpu.memory_space<vmem>> -> memref<1x125xi32, #tpu.memory_space<vmem>>
        %dma_wait3A_16 = tpu.memref_squeeze %dma_wait3A_15 : memref<1x125xi32, #tpu.memory_space<vmem>> -> memref<125xi32, #tpu.memory_space<vmem>>
        %dma_wait3A_17 = arith.constant 0 : i32
        %dma_wait3A_18 = arith.constant 0 : i32
        %dma_wait3A_19 = tpu.memref_slice %arg8[%dma_wait3A_17, %dma_wait3A_18] : memref<10112x8xf32, #tpu.memory_space<vmem_shared>> -> memref<10112x8xf32, #tpu.memory_space<vmem_shared>>
        tpu.wait_indirect_dma semaphore(%run_scoped3A : memref<!tpu.dma_semaphore, #tpu.memory_space<semaphore_mem>>) src(%arg7 : memref<125x8xf32, #tpu.memory_space<vmem>>) dst(%dma_wait3A_19 : memref<10112x8xf32, #tpu.memory_space<vmem_shared>>)
        tpu.yield
      }) : () -> ()
    }
    %scan3A_7 = arith.constant 80 : i32
    %barrier3A_8 = arith.constant 0 : index
    tpu.barrier barrier_id(%barrier3A_8)
    "tpu.region"() ({
      %run_scoped3A = tpu.sem_alloc : memref<!tpu.dma_semaphore, #tpu.memory_space<semaphore_mem>>
      %dma_start3A = arith.constant 0 : i32
      %dma_start3A_9 = tpu.memref_slice %arg5[%arg0, %multiple_of3A, %dma_start3A] : memref<2x10112x8xf32, #tpu.memory_space<hbm>> -> memref<1x632x8xf32, #tpu.memory_space<hbm>>
      %dma_start3A_10 = tpu.memref_squeeze %dma_start3A_9 : memref<1x632x8xf32, #tpu.memory_space<hbm>> -> memref<632x8xf32, #tpu.memory_space<hbm>>
      %dma_start3A_11 = arith.constant 0 : i32
      %dma_start3A_12 = tpu.memref_slice %arg8[%multiple_of3A, %dma_start3A_11] : memref<10112x8xf32, #tpu.memory_space<vmem_shared>> -> memref<632x8xf32, #tpu.memory_space<vmem_shared>>
      tpu.enqueue_dma source(%dma_start3A_12 : memref<632x8xf32, #tpu.memory_space<vmem_shared>>) target(%dma_start3A_10 : memref<632x8xf32, #tpu.memory_space<hbm>>) target_semaphore(%run_scoped3A : memref<!tpu.dma_semaphore, #tpu.memory_space<semaphore_mem>>)
      %dma_wait3A = arith.constant 0 : i32
      %dma_wait3A_13 = tpu.memref_slice %arg5[%arg0, %multiple_of3A, %dma_wait3A] : memref<2x10112x8xf32, #tpu.memory_space<hbm>> -> memref<1x632x8xf32, #tpu.memory_space<hbm>>
      %dma_wait3A_14 = tpu.memref_squeeze %dma_wait3A_13 : memref<1x632x8xf32, #tpu.memory_space<hbm>> -> memref<632x8xf32, #tpu.memory_space<hbm>>
      %dma_wait3A_15 = arith.constant 0 : i32
      %dma_wait3A_16 = tpu.memref_slice %arg8[%multiple_of3A, %dma_wait3A_15] : memref<10112x8xf32, #tpu.memory_space<vmem_shared>> -> memref<632x8xf32, #tpu.memory_space<vmem_shared>>
      tpu.wait_dma2 semaphore(%run_scoped3A : memref<!tpu.dma_semaphore, #tpu.memory_space<semaphore_mem>>) src(%dma_wait3A_16 : memref<632x8xf32, #tpu.memory_space<vmem_shared>>) dst(%dma_wait3A_14 : memref<632x8xf32, #tpu.memory_space<hbm>>)
      tpu.yield
    }) : () -> ()
    return
  }
}

#map = affine_map<(d0, d1) -> (0, 0)>
#map1 = affine_map<(d0, d1) -> (0, 0, 0)>
module attributes {stable_mosaic.version = 14 : i64} {
  func.func @_agg_sc(%arg0: i32, %arg1: i32, %arg2: memref<10112x32xf32, #tpu.memory_space<hbm>>, %arg3: memref<32x80x125xi32, #tpu.memory_space<hbm>>, %arg4: memref<32x80x125xi32, #tpu.memory_space<hbm>>, %arg5: memref<10112x32xf32, #tpu.memory_space<hbm>>, %arg6: memref<2x10112x32xf32, #tpu.memory_space<hbm>>, %arg7: memref<80x125xi32, #tpu.memory_space<vmem>>, %arg8: memref<80x125xi32, #tpu.memory_space<vmem>>, %arg9: memref<125x32xf32, #tpu.memory_space<vmem>>, %arg10: memref<125x32xf32, #tpu.memory_space<vmem>>, %arg11: memref<10112x32xf32, #tpu.memory_space<vmem_shared>>, %arg12: memref<10112x32xf32, #tpu.memory_space<vmem_shared>>, %arg13: memref<!tpu.dma_semaphore, #tpu.memory_space<semaphore_mem>>, %arg14: memref<!tpu.dma_semaphore, #tpu.memory_space<semaphore_mem>>) attributes {dimension_semantics = [#tpu.dimension_semantics<core_parallel>, #tpu.dimension_semantics<subcore_parallel>], iteration_bounds = array<i64: 2, 16>, scalar_prefetch = 0 : i64, scratch_operands = 8 : i64, tpu.core_type = #tpu.core_type<sc_vector_subcore>, window_params = [{transform_indices = #map}, {transform_indices = #map1}, {transform_indices = #map1}, {transform_indices = #map}, {transform_indices = #map1}]} {
    %mul3A = arith.constant 2 : i32
    %mul3A_0 = arith.muli %arg1, %mul3A : i32
    %add3A = arith.addi %mul3A_0, %arg0 : i32
    %mul3A_1 = arith.constant 632 : i32
    %mul3A_2 = arith.muli %arg1, %mul3A_1 : i32
    %multiple_of3A = tpu.assume_multiple %mul3A_2, 8 : i32
    "tpu.region"() ({
      %run_scoped3A = tpu.sem_alloc : memref<!tpu.dma_semaphore, #tpu.memory_space<semaphore_mem>>
      %dma_start3A_15 = arith.constant 0 : i32
      %dma_start3A_16 = arith.constant 0 : i32
      %dma_start3A_17 = tpu.memref_slice %arg3[%add3A, %dma_start3A_15, %dma_start3A_16] : memref<32x80x125xi32, #tpu.memory_space<hbm>> -> memref<1x80x125xi32, #tpu.memory_space<hbm>>
      %dma_start3A_18 = tpu.memref_squeeze %dma_start3A_17 : memref<1x80x125xi32, #tpu.memory_space<hbm>> -> memref<80x125xi32, #tpu.memory_space<hbm>>
      %dma_start3A_19 = arith.constant 0 : i32
      %dma_start3A_20 = arith.constant 0 : i32
      %dma_start3A_21 = tpu.memref_slice %arg3[%add3A, %dma_start3A_19, %dma_start3A_20] : memref<32x80x125xi32, #tpu.memory_space<hbm>> -> memref<1x80x125xi32, #tpu.memory_space<hbm>>
      %dma_start3A_22 = tpu.memref_squeeze %dma_start3A_21 : memref<1x80x125xi32, #tpu.memory_space<hbm>> -> memref<80x125xi32, #tpu.memory_space<hbm>>
      tpu.enqueue_dma source(%dma_start3A_22 : memref<80x125xi32, #tpu.memory_space<hbm>>) target(%arg7 : memref<80x125xi32, #tpu.memory_space<vmem>>) target_semaphore(%run_scoped3A : memref<!tpu.dma_semaphore, #tpu.memory_space<semaphore_mem>>)
      %dma_wait3A = arith.constant 0 : i32
      %dma_wait3A_23 = arith.constant 0 : i32
      %dma_wait3A_24 = tpu.memref_slice %arg3[%add3A, %dma_wait3A, %dma_wait3A_23] : memref<32x80x125xi32, #tpu.memory_space<hbm>> -> memref<1x80x125xi32, #tpu.memory_space<hbm>>
      %dma_wait3A_25 = tpu.memref_squeeze %dma_wait3A_24 : memref<1x80x125xi32, #tpu.memory_space<hbm>> -> memref<80x125xi32, #tpu.memory_space<hbm>>
      %dma_wait3A_26 = arith.constant 0 : i32
      %dma_wait3A_27 = arith.constant 0 : i32
      %dma_wait3A_28 = tpu.memref_slice %arg3[%add3A, %dma_wait3A_26, %dma_wait3A_27] : memref<32x80x125xi32, #tpu.memory_space<hbm>> -> memref<1x80x125xi32, #tpu.memory_space<hbm>>
      %dma_wait3A_29 = tpu.memref_squeeze %dma_wait3A_28 : memref<1x80x125xi32, #tpu.memory_space<hbm>> -> memref<80x125xi32, #tpu.memory_space<hbm>>
      tpu.wait_dma2 semaphore(%run_scoped3A : memref<!tpu.dma_semaphore, #tpu.memory_space<semaphore_mem>>) src(%dma_wait3A_29 : memref<80x125xi32, #tpu.memory_space<hbm>>) dst(%arg7 : memref<80x125xi32, #tpu.memory_space<vmem>>)
      tpu.yield
    }) : () -> ()
    "tpu.region"() ({
      %run_scoped3A = tpu.sem_alloc : memref<!tpu.dma_semaphore, #tpu.memory_space<semaphore_mem>>
      %dma_start3A_15 = arith.constant 0 : i32
      %dma_start3A_16 = arith.constant 0 : i32
      %dma_start3A_17 = tpu.memref_slice %arg4[%add3A, %dma_start3A_15, %dma_start3A_16] : memref<32x80x125xi32, #tpu.memory_space<hbm>> -> memref<1x80x125xi32, #tpu.memory_space<hbm>>
      %dma_start3A_18 = tpu.memref_squeeze %dma_start3A_17 : memref<1x80x125xi32, #tpu.memory_space<hbm>> -> memref<80x125xi32, #tpu.memory_space<hbm>>
      %dma_start3A_19 = arith.constant 0 : i32
      %dma_start3A_20 = arith.constant 0 : i32
      %dma_start3A_21 = tpu.memref_slice %arg4[%add3A, %dma_start3A_19, %dma_start3A_20] : memref<32x80x125xi32, #tpu.memory_space<hbm>> -> memref<1x80x125xi32, #tpu.memory_space<hbm>>
      %dma_start3A_22 = tpu.memref_squeeze %dma_start3A_21 : memref<1x80x125xi32, #tpu.memory_space<hbm>> -> memref<80x125xi32, #tpu.memory_space<hbm>>
      tpu.enqueue_dma source(%dma_start3A_22 : memref<80x125xi32, #tpu.memory_space<hbm>>) target(%arg8 : memref<80x125xi32, #tpu.memory_space<vmem>>) target_semaphore(%run_scoped3A : memref<!tpu.dma_semaphore, #tpu.memory_space<semaphore_mem>>)
      %dma_wait3A = arith.constant 0 : i32
      %dma_wait3A_23 = arith.constant 0 : i32
      %dma_wait3A_24 = tpu.memref_slice %arg4[%add3A, %dma_wait3A, %dma_wait3A_23] : memref<32x80x125xi32, #tpu.memory_space<hbm>> -> memref<1x80x125xi32, #tpu.memory_space<hbm>>
      %dma_wait3A_25 = tpu.memref_squeeze %dma_wait3A_24 : memref<1x80x125xi32, #tpu.memory_space<hbm>> -> memref<80x125xi32, #tpu.memory_space<hbm>>
      %dma_wait3A_26 = arith.constant 0 : i32
      %dma_wait3A_27 = arith.constant 0 : i32
      %dma_wait3A_28 = tpu.memref_slice %arg4[%add3A, %dma_wait3A_26, %dma_wait3A_27] : memref<32x80x125xi32, #tpu.memory_space<hbm>> -> memref<1x80x125xi32, #tpu.memory_space<hbm>>
      %dma_wait3A_29 = tpu.memref_squeeze %dma_wait3A_28 : memref<1x80x125xi32, #tpu.memory_space<hbm>> -> memref<80x125xi32, #tpu.memory_space<hbm>>
      tpu.wait_dma2 semaphore(%run_scoped3A : memref<!tpu.dma_semaphore, #tpu.memory_space<semaphore_mem>>) src(%dma_wait3A_29 : memref<80x125xi32, #tpu.memory_space<hbm>>) dst(%arg8 : memref<80x125xi32, #tpu.memory_space<vmem>>)
      tpu.yield
    }) : () -> ()
    "tpu.region"() ({
      %run_scoped3A = tpu.sem_alloc : memref<!tpu.dma_semaphore, #tpu.memory_space<semaphore_mem>>
      %dma_start3A_15 = arith.constant 0 : i32
      %dma_start3A_16 = tpu.memref_slice %arg12[%multiple_of3A, %dma_start3A_15] : memref<10112x32xf32, #tpu.memory_space<vmem_shared>> -> memref<632x32xf32, #tpu.memory_space<vmem_shared>>
      %dma_start3A_17 = arith.constant 0 : i32
      %dma_start3A_18 = tpu.memref_slice %arg2[%multiple_of3A, %dma_start3A_17] : memref<10112x32xf32, #tpu.memory_space<hbm>> -> memref<632x32xf32, #tpu.memory_space<hbm>>
      tpu.enqueue_dma source(%dma_start3A_18 : memref<632x32xf32, #tpu.memory_space<hbm>>) target(%dma_start3A_16 : memref<632x32xf32, #tpu.memory_space<vmem_shared>>) target_semaphore(%run_scoped3A : memref<!tpu.dma_semaphore, #tpu.memory_space<semaphore_mem>>)
      %dma_wait3A = arith.constant 0 : i32
      %dma_wait3A_19 = tpu.memref_slice %arg12[%multiple_of3A, %dma_wait3A] : memref<10112x32xf32, #tpu.memory_space<vmem_shared>> -> memref<632x32xf32, #tpu.memory_space<vmem_shared>>
      %dma_wait3A_20 = arith.constant 0 : i32
      %dma_wait3A_21 = tpu.memref_slice %arg2[%multiple_of3A, %dma_wait3A_20] : memref<10112x32xf32, #tpu.memory_space<hbm>> -> memref<632x32xf32, #tpu.memory_space<hbm>>
      tpu.wait_dma2 semaphore(%run_scoped3A : memref<!tpu.dma_semaphore, #tpu.memory_space<semaphore_mem>>) src(%dma_wait3A_21 : memref<632x32xf32, #tpu.memory_space<hbm>>) dst(%dma_wait3A_19 : memref<632x32xf32, #tpu.memory_space<vmem_shared>>)
      tpu.yield
    }) : () -> ()
    "tpu.region"() ({
      %run_scoped3A = tpu.sem_alloc : memref<!tpu.dma_semaphore, #tpu.memory_space<semaphore_mem>>
      %dma_start3A_15 = arith.constant 0 : i32
      %dma_start3A_16 = tpu.memref_slice %arg11[%multiple_of3A, %dma_start3A_15] : memref<10112x32xf32, #tpu.memory_space<vmem_shared>> -> memref<632x32xf32, #tpu.memory_space<vmem_shared>>
      %dma_start3A_17 = arith.constant 0 : i32
      %dma_start3A_18 = tpu.memref_slice %arg5[%multiple_of3A, %dma_start3A_17] : memref<10112x32xf32, #tpu.memory_space<hbm>> -> memref<632x32xf32, #tpu.memory_space<hbm>>
      tpu.enqueue_dma source(%dma_start3A_18 : memref<632x32xf32, #tpu.memory_space<hbm>>) target(%dma_start3A_16 : memref<632x32xf32, #tpu.memory_space<vmem_shared>>) target_semaphore(%run_scoped3A : memref<!tpu.dma_semaphore, #tpu.memory_space<semaphore_mem>>)
      %dma_wait3A = arith.constant 0 : i32
      %dma_wait3A_19 = tpu.memref_slice %arg11[%multiple_of3A, %dma_wait3A] : memref<10112x32xf32, #tpu.memory_space<vmem_shared>> -> memref<632x32xf32, #tpu.memory_space<vmem_shared>>
      %dma_wait3A_20 = arith.constant 0 : i32
      %dma_wait3A_21 = tpu.memref_slice %arg5[%multiple_of3A, %dma_wait3A_20] : memref<10112x32xf32, #tpu.memory_space<hbm>> -> memref<632x32xf32, #tpu.memory_space<hbm>>
      tpu.wait_dma2 semaphore(%run_scoped3A : memref<!tpu.dma_semaphore, #tpu.memory_space<semaphore_mem>>) src(%dma_wait3A_21 : memref<632x32xf32, #tpu.memory_space<hbm>>) dst(%dma_wait3A_19 : memref<632x32xf32, #tpu.memory_space<vmem_shared>>)
      tpu.yield
    }) : () -> ()
    %barrier3A = arith.constant 0 : index
    tpu.barrier barrier_id(%barrier3A)
    %dma_start3A = arith.constant 0 : i32
    %dma_start3A_3 = arith.constant 0 : i32
    %dma_start3A_4 = tpu.memref_slice %arg7[%dma_start3A, %dma_start3A_3] : memref<80x125xi32, #tpu.memory_space<vmem>> -> memref<1x125xi32, #tpu.memory_space<vmem>>
    %dma_start3A_5 = tpu.memref_squeeze %dma_start3A_4 : memref<1x125xi32, #tpu.memory_space<vmem>> -> memref<125xi32, #tpu.memory_space<vmem>>
    %dma_start3A_6 = arith.constant 0 : i32
    %dma_start3A_7 = arith.constant 0 : i32
    %dma_start3A_8 = tpu.memref_slice %arg12[%dma_start3A_6, %dma_start3A_7] : memref<10112x32xf32, #tpu.memory_space<vmem_shared>> -> memref<10112x32xf32, #tpu.memory_space<vmem_shared>>
    tpu.enqueue_indirect_dma source(%dma_start3A_8 : memref<10112x32xf32, #tpu.memory_space<vmem_shared>>) target(%arg9 : memref<125x32xf32, #tpu.memory_space<vmem>>) offsets(%dma_start3A_5 : memref<125xi32, #tpu.memory_space<vmem>>) semaphore(%arg13 : memref<!tpu.dma_semaphore, #tpu.memory_space<semaphore_mem>>)
    %scan3A = arith.constant 0 : i32
    %scan3A_9 = arith.constant 0 : i32
    %scan3A_10 = arith.constant 40 : i32
    %scan3A_11 = arith.addi %scan3A_9, %scan3A_10 : i32
    %scan3A_12 = arith.constant 1 : i32
    scf.for %scan3A_15 = %scan3A_9 to %scan3A_11 step %scan3A_12  : i32 {
      %mul3A_16 = arith.constant 2 : i32
      %mul3A_17 = arith.muli %mul3A_16, %scan3A_15 : i32
      %add3A_18 = arith.constant 1 : i32
      %add3A_19 = arith.addi %mul3A_17, %add3A_18 : i32
      %dma_start3A_20 = arith.constant 0 : i32
      %dma_start3A_21 = tpu.memref_slice %arg7[%add3A_19, %dma_start3A_20] : memref<80x125xi32, #tpu.memory_space<vmem>> -> memref<1x125xi32, #tpu.memory_space<vmem>>
      %dma_start3A_22 = tpu.memref_squeeze %dma_start3A_21 : memref<1x125xi32, #tpu.memory_space<vmem>> -> memref<125xi32, #tpu.memory_space<vmem>>
      %dma_start3A_23 = arith.constant 0 : i32
      %dma_start3A_24 = arith.constant 0 : i32
      %dma_start3A_25 = tpu.memref_slice %arg12[%dma_start3A_23, %dma_start3A_24] : memref<10112x32xf32, #tpu.memory_space<vmem_shared>> -> memref<10112x32xf32, #tpu.memory_space<vmem_shared>>
      tpu.enqueue_indirect_dma source(%dma_start3A_25 : memref<10112x32xf32, #tpu.memory_space<vmem_shared>>) target(%arg10 : memref<125x32xf32, #tpu.memory_space<vmem>>) offsets(%dma_start3A_22 : memref<125xi32, #tpu.memory_space<vmem>>) semaphore(%arg14 : memref<!tpu.dma_semaphore, #tpu.memory_space<semaphore_mem>>)
      %dma_wait3A = arith.constant 0 : i32
      %dma_wait3A_26 = tpu.memref_slice %arg7[%mul3A_17, %dma_wait3A] : memref<80x125xi32, #tpu.memory_space<vmem>> -> memref<1x125xi32, #tpu.memory_space<vmem>>
      %dma_wait3A_27 = tpu.memref_squeeze %dma_wait3A_26 : memref<1x125xi32, #tpu.memory_space<vmem>> -> memref<125xi32, #tpu.memory_space<vmem>>
      %dma_wait3A_28 = arith.constant 0 : i32
      %dma_wait3A_29 = arith.constant 0 : i32
      %dma_wait3A_30 = tpu.memref_slice %arg12[%dma_wait3A_28, %dma_wait3A_29] : memref<10112x32xf32, #tpu.memory_space<vmem_shared>> -> memref<10112x32xf32, #tpu.memory_space<vmem_shared>>
      tpu.wait_indirect_dma semaphore(%arg13 : memref<!tpu.dma_semaphore, #tpu.memory_space<semaphore_mem>>) src(%dma_wait3A_30 : memref<10112x32xf32, #tpu.memory_space<vmem_shared>>) dst(%arg9 : memref<125x32xf32, #tpu.memory_space<vmem>>)
      "tpu.region"() ({
        %run_scoped3A = tpu.sem_alloc : memref<!tpu.dma_semaphore, #tpu.memory_space<semaphore_mem>>
        %dma_start3A_41 = arith.constant 0 : i32
        %dma_start3A_42 = tpu.memref_slice %arg8[%mul3A_17, %dma_start3A_41] : memref<80x125xi32, #tpu.memory_space<vmem>> -> memref<1x125xi32, #tpu.memory_space<vmem>>
        %dma_start3A_43 = tpu.memref_squeeze %dma_start3A_42 : memref<1x125xi32, #tpu.memory_space<vmem>> -> memref<125xi32, #tpu.memory_space<vmem>>
        %dma_start3A_44 = arith.constant 0 : i32
        %dma_start3A_45 = arith.constant 0 : i32
        %dma_start3A_46 = tpu.memref_slice %arg11[%dma_start3A_44, %dma_start3A_45] : memref<10112x32xf32, #tpu.memory_space<vmem_shared>> -> memref<10112x32xf32, #tpu.memory_space<vmem_shared>>
        tpu.enqueue_indirect_dma source(%arg9 : memref<125x32xf32, #tpu.memory_space<vmem>>) target(%dma_start3A_46 : memref<10112x32xf32, #tpu.memory_space<vmem_shared>>) offsets(%dma_start3A_43 : memref<125xi32, #tpu.memory_space<vmem>>) semaphore(%run_scoped3A : memref<!tpu.dma_semaphore, #tpu.memory_space<semaphore_mem>>) {add = true}
        %dma_wait3A_47 = arith.constant 0 : i32
        %dma_wait3A_48 = tpu.memref_slice %arg8[%mul3A_17, %dma_wait3A_47] : memref<80x125xi32, #tpu.memory_space<vmem>> -> memref<1x125xi32, #tpu.memory_space<vmem>>
        %dma_wait3A_49 = tpu.memref_squeeze %dma_wait3A_48 : memref<1x125xi32, #tpu.memory_space<vmem>> -> memref<125xi32, #tpu.memory_space<vmem>>
        %dma_wait3A_50 = arith.constant 0 : i32
        %dma_wait3A_51 = arith.constant 0 : i32
        %dma_wait3A_52 = tpu.memref_slice %arg11[%dma_wait3A_50, %dma_wait3A_51] : memref<10112x32xf32, #tpu.memory_space<vmem_shared>> -> memref<10112x32xf32, #tpu.memory_space<vmem_shared>>
        tpu.wait_indirect_dma semaphore(%run_scoped3A : memref<!tpu.dma_semaphore, #tpu.memory_space<semaphore_mem>>) src(%arg9 : memref<125x32xf32, #tpu.memory_space<vmem>>) dst(%dma_wait3A_52 : memref<10112x32xf32, #tpu.memory_space<vmem_shared>>)
        tpu.yield
      }) : () -> ()
      %add3A_31 = arith.constant 2 : i32
      %add3A_32 = arith.addi %mul3A_17, %add3A_31 : i32
      %lt3A = arith.constant 80 : i32
      %lt3A_33 = arith.cmpi slt, %add3A_32, %lt3A : i32
      %convert_element_type3A = arith.extui %lt3A_33 : i1 to i32
      %cond3A = arith.constant 0 : i32
      %cond3A_34 = arith.cmpi ne, %convert_element_type3A, %cond3A : i32
      scf.if %cond3A_34 {
        %add3A_41 = arith.constant 2 : i32
        %add3A_42 = arith.addi %mul3A_17, %add3A_41 : i32
        %dma_start3A_43 = arith.constant 0 : i32
        %dma_start3A_44 = tpu.memref_slice %arg7[%add3A_42, %dma_start3A_43] : memref<80x125xi32, #tpu.memory_space<vmem>> -> memref<1x125xi32, #tpu.memory_space<vmem>>
        %dma_start3A_45 = tpu.memref_squeeze %dma_start3A_44 : memref<1x125xi32, #tpu.memory_space<vmem>> -> memref<125xi32, #tpu.memory_space<vmem>>
        %dma_start3A_46 = arith.constant 0 : i32
        %dma_start3A_47 = arith.constant 0 : i32
        %dma_start3A_48 = tpu.memref_slice %arg12[%dma_start3A_46, %dma_start3A_47] : memref<10112x32xf32, #tpu.memory_space<vmem_shared>> -> memref<10112x32xf32, #tpu.memory_space<vmem_shared>>
        tpu.enqueue_indirect_dma source(%dma_start3A_48 : memref<10112x32xf32, #tpu.memory_space<vmem_shared>>) target(%arg9 : memref<125x32xf32, #tpu.memory_space<vmem>>) offsets(%dma_start3A_45 : memref<125xi32, #tpu.memory_space<vmem>>) semaphore(%arg13 : memref<!tpu.dma_semaphore, #tpu.memory_space<semaphore_mem>>)
      } else {
      }
      %dma_wait3A_35 = arith.constant 0 : i32
      %dma_wait3A_36 = tpu.memref_slice %arg7[%add3A_19, %dma_wait3A_35] : memref<80x125xi32, #tpu.memory_space<vmem>> -> memref<1x125xi32, #tpu.memory_space<vmem>>
      %dma_wait3A_37 = tpu.memref_squeeze %dma_wait3A_36 : memref<1x125xi32, #tpu.memory_space<vmem>> -> memref<125xi32, #tpu.memory_space<vmem>>
      %dma_wait3A_38 = arith.constant 0 : i32
      %dma_wait3A_39 = arith.constant 0 : i32
      %dma_wait3A_40 = tpu.memref_slice %arg12[%dma_wait3A_38, %dma_wait3A_39] : memref<10112x32xf32, #tpu.memory_space<vmem_shared>> -> memref<10112x32xf32, #tpu.memory_space<vmem_shared>>
      tpu.wait_indirect_dma semaphore(%arg14 : memref<!tpu.dma_semaphore, #tpu.memory_space<semaphore_mem>>) src(%dma_wait3A_40 : memref<10112x32xf32, #tpu.memory_space<vmem_shared>>) dst(%arg10 : memref<125x32xf32, #tpu.memory_space<vmem>>)
      "tpu.region"() ({
        %run_scoped3A = tpu.sem_alloc : memref<!tpu.dma_semaphore, #tpu.memory_space<semaphore_mem>>
        %dma_start3A_41 = arith.constant 0 : i32
        %dma_start3A_42 = tpu.memref_slice %arg8[%add3A_19, %dma_start3A_41] : memref<80x125xi32, #tpu.memory_space<vmem>> -> memref<1x125xi32, #tpu.memory_space<vmem>>
        %dma_start3A_43 = tpu.memref_squeeze %dma_start3A_42 : memref<1x125xi32, #tpu.memory_space<vmem>> -> memref<125xi32, #tpu.memory_space<vmem>>
        %dma_start3A_44 = arith.constant 0 : i32
        %dma_start3A_45 = arith.constant 0 : i32
        %dma_start3A_46 = tpu.memref_slice %arg11[%dma_start3A_44, %dma_start3A_45] : memref<10112x32xf32, #tpu.memory_space<vmem_shared>> -> memref<10112x32xf32, #tpu.memory_space<vmem_shared>>
        tpu.enqueue_indirect_dma source(%arg10 : memref<125x32xf32, #tpu.memory_space<vmem>>) target(%dma_start3A_46 : memref<10112x32xf32, #tpu.memory_space<vmem_shared>>) offsets(%dma_start3A_43 : memref<125xi32, #tpu.memory_space<vmem>>) semaphore(%run_scoped3A : memref<!tpu.dma_semaphore, #tpu.memory_space<semaphore_mem>>) {add = true}
        %dma_wait3A_47 = arith.constant 0 : i32
        %dma_wait3A_48 = tpu.memref_slice %arg8[%add3A_19, %dma_wait3A_47] : memref<80x125xi32, #tpu.memory_space<vmem>> -> memref<1x125xi32, #tpu.memory_space<vmem>>
        %dma_wait3A_49 = tpu.memref_squeeze %dma_wait3A_48 : memref<1x125xi32, #tpu.memory_space<vmem>> -> memref<125xi32, #tpu.memory_space<vmem>>
        %dma_wait3A_50 = arith.constant 0 : i32
        %dma_wait3A_51 = arith.constant 0 : i32
        %dma_wait3A_52 = tpu.memref_slice %arg11[%dma_wait3A_50, %dma_wait3A_51] : memref<10112x32xf32, #tpu.memory_space<vmem_shared>> -> memref<10112x32xf32, #tpu.memory_space<vmem_shared>>
        tpu.wait_indirect_dma semaphore(%run_scoped3A : memref<!tpu.dma_semaphore, #tpu.memory_space<semaphore_mem>>) src(%arg10 : memref<125x32xf32, #tpu.memory_space<vmem>>) dst(%dma_wait3A_52 : memref<10112x32xf32, #tpu.memory_space<vmem_shared>>)
        tpu.yield
      }) : () -> ()
    }
    %scan3A_13 = arith.constant 40 : i32
    %barrier3A_14 = arith.constant 0 : index
    tpu.barrier barrier_id(%barrier3A_14)
    "tpu.region"() ({
      %run_scoped3A = tpu.sem_alloc : memref<!tpu.dma_semaphore, #tpu.memory_space<semaphore_mem>>
      %dma_start3A_15 = arith.constant 0 : i32
      %dma_start3A_16 = tpu.memref_slice %arg6[%arg0, %multiple_of3A, %dma_start3A_15] : memref<2x10112x32xf32, #tpu.memory_space<hbm>> -> memref<1x632x32xf32, #tpu.memory_space<hbm>>
      %dma_start3A_17 = tpu.memref_squeeze %dma_start3A_16 : memref<1x632x32xf32, #tpu.memory_space<hbm>> -> memref<632x32xf32, #tpu.memory_space<hbm>>
      %dma_start3A_18 = arith.constant 0 : i32
      %dma_start3A_19 = tpu.memref_slice %arg11[%multiple_of3A, %dma_start3A_18] : memref<10112x32xf32, #tpu.memory_space<vmem_shared>> -> memref<632x32xf32, #tpu.memory_space<vmem_shared>>
      tpu.enqueue_dma source(%dma_start3A_19 : memref<632x32xf32, #tpu.memory_space<vmem_shared>>) target(%dma_start3A_17 : memref<632x32xf32, #tpu.memory_space<hbm>>) target_semaphore(%run_scoped3A : memref<!tpu.dma_semaphore, #tpu.memory_space<semaphore_mem>>)
      %dma_wait3A = arith.constant 0 : i32
      %dma_wait3A_20 = tpu.memref_slice %arg6[%arg0, %multiple_of3A, %dma_wait3A] : memref<2x10112x32xf32, #tpu.memory_space<hbm>> -> memref<1x632x32xf32, #tpu.memory_space<hbm>>
      %dma_wait3A_21 = tpu.memref_squeeze %dma_wait3A_20 : memref<1x632x32xf32, #tpu.memory_space<hbm>> -> memref<632x32xf32, #tpu.memory_space<hbm>>
      %dma_wait3A_22 = arith.constant 0 : i32
      %dma_wait3A_23 = tpu.memref_slice %arg11[%multiple_of3A, %dma_wait3A_22] : memref<10112x32xf32, #tpu.memory_space<vmem_shared>> -> memref<632x32xf32, #tpu.memory_space<vmem_shared>>
      tpu.wait_dma2 semaphore(%run_scoped3A : memref<!tpu.dma_semaphore, #tpu.memory_space<semaphore_mem>>) src(%dma_wait3A_23 : memref<632x32xf32, #tpu.memory_space<vmem_shared>>) dst(%dma_wait3A_21 : memref<632x32xf32, #tpu.memory_space<hbm>>)
      tpu.yield
    }) : () -> ()
    return
  }
}

#map = affine_map<(d0, d1) -> (0, 0)>
#map1 = affine_map<(d0, d1) -> (0, 0, 0)>
module attributes {stable_mosaic.version = 14 : i64} {
  func.func @_agg_sc(%arg0: i32, %arg1: i32, %arg2: memref<10112x32xf32, #tpu.memory_space<hbm>>, %arg3: memref<32x80x125xi32, #tpu.memory_space<hbm>>, %arg4: memref<32x80x125xi32, #tpu.memory_space<hbm>>, %arg5: memref<10112x32xf32, #tpu.memory_space<hbm>>, %arg6: memref<2x10112x32xf32, #tpu.memory_space<hbm>>, %arg7: memref<80x125xi32, #tpu.memory_space<vmem>>, %arg8: memref<80x125xi32, #tpu.memory_space<vmem>>, %arg9: memref<125x32xf32, #tpu.memory_space<vmem>>, %arg10: memref<125x32xf32, #tpu.memory_space<vmem>>, %arg11: memref<10112x32xf32, #tpu.memory_space<vmem_shared>>, %arg12: memref<10112x32xf32, #tpu.memory_space<vmem_shared>>, %arg13: memref<!tpu.dma_semaphore, #tpu.memory_space<semaphore_mem>>, %arg14: memref<!tpu.dma_semaphore, #tpu.memory_space<semaphore_mem>>) attributes {dimension_semantics = [#tpu.dimension_semantics<core_parallel>, #tpu.dimension_semantics<subcore_parallel>], iteration_bounds = array<i64: 2, 16>, scalar_prefetch = 0 : i64, scratch_operands = 8 : i64, tpu.core_type = #tpu.core_type<sc_vector_subcore>, window_params = [{transform_indices = #map}, {transform_indices = #map1}, {transform_indices = #map1}, {transform_indices = #map}, {transform_indices = #map1}]} {
    %mul3A = arith.constant 2 : i32
    %mul3A_0 = arith.muli %arg1, %mul3A : i32
    %add3A = arith.addi %mul3A_0, %arg0 : i32
    %mul3A_1 = arith.constant 632 : i32
    %mul3A_2 = arith.muli %arg1, %mul3A_1 : i32
    %multiple_of3A = tpu.assume_multiple %mul3A_2, 8 : i32
    "tpu.region"() ({
      %run_scoped3A = tpu.sem_alloc : memref<!tpu.dma_semaphore, #tpu.memory_space<semaphore_mem>>
      %dma_start3A_15 = arith.constant 0 : i32
      %dma_start3A_16 = arith.constant 0 : i32
      %dma_start3A_17 = tpu.memref_slice %arg3[%add3A, %dma_start3A_15, %dma_start3A_16] : memref<32x80x125xi32, #tpu.memory_space<hbm>> -> memref<1x80x125xi32, #tpu.memory_space<hbm>>
      %dma_start3A_18 = tpu.memref_squeeze %dma_start3A_17 : memref<1x80x125xi32, #tpu.memory_space<hbm>> -> memref<80x125xi32, #tpu.memory_space<hbm>>
      %dma_start3A_19 = arith.constant 0 : i32
      %dma_start3A_20 = arith.constant 0 : i32
      %dma_start3A_21 = tpu.memref_slice %arg3[%add3A, %dma_start3A_19, %dma_start3A_20] : memref<32x80x125xi32, #tpu.memory_space<hbm>> -> memref<1x80x125xi32, #tpu.memory_space<hbm>>
      %dma_start3A_22 = tpu.memref_squeeze %dma_start3A_21 : memref<1x80x125xi32, #tpu.memory_space<hbm>> -> memref<80x125xi32, #tpu.memory_space<hbm>>
      tpu.enqueue_dma source(%dma_start3A_22 : memref<80x125xi32, #tpu.memory_space<hbm>>) target(%arg7 : memref<80x125xi32, #tpu.memory_space<vmem>>) target_semaphore(%run_scoped3A : memref<!tpu.dma_semaphore, #tpu.memory_space<semaphore_mem>>)
      %dma_wait3A = arith.constant 0 : i32
      %dma_wait3A_23 = arith.constant 0 : i32
      %dma_wait3A_24 = tpu.memref_slice %arg3[%add3A, %dma_wait3A, %dma_wait3A_23] : memref<32x80x125xi32, #tpu.memory_space<hbm>> -> memref<1x80x125xi32, #tpu.memory_space<hbm>>
      %dma_wait3A_25 = tpu.memref_squeeze %dma_wait3A_24 : memref<1x80x125xi32, #tpu.memory_space<hbm>> -> memref<80x125xi32, #tpu.memory_space<hbm>>
      %dma_wait3A_26 = arith.constant 0 : i32
      %dma_wait3A_27 = arith.constant 0 : i32
      %dma_wait3A_28 = tpu.memref_slice %arg3[%add3A, %dma_wait3A_26, %dma_wait3A_27] : memref<32x80x125xi32, #tpu.memory_space<hbm>> -> memref<1x80x125xi32, #tpu.memory_space<hbm>>
      %dma_wait3A_29 = tpu.memref_squeeze %dma_wait3A_28 : memref<1x80x125xi32, #tpu.memory_space<hbm>> -> memref<80x125xi32, #tpu.memory_space<hbm>>
      tpu.wait_dma2 semaphore(%run_scoped3A : memref<!tpu.dma_semaphore, #tpu.memory_space<semaphore_mem>>) src(%dma_wait3A_29 : memref<80x125xi32, #tpu.memory_space<hbm>>) dst(%arg7 : memref<80x125xi32, #tpu.memory_space<vmem>>)
      tpu.yield
    }) : () -> ()
    "tpu.region"() ({
      %run_scoped3A = tpu.sem_alloc : memref<!tpu.dma_semaphore, #tpu.memory_space<semaphore_mem>>
      %dma_start3A_15 = arith.constant 0 : i32
      %dma_start3A_16 = arith.constant 0 : i32
      %dma_start3A_17 = tpu.memref_slice %arg4[%add3A, %dma_start3A_15, %dma_start3A_16] : memref<32x80x125xi32, #tpu.memory_space<hbm>> -> memref<1x80x125xi32, #tpu.memory_space<hbm>>
      %dma_start3A_18 = tpu.memref_squeeze %dma_start3A_17 : memref<1x80x125xi32, #tpu.memory_space<hbm>> -> memref<80x125xi32, #tpu.memory_space<hbm>>
      %dma_start3A_19 = arith.constant 0 : i32
      %dma_start3A_20 = arith.constant 0 : i32
      %dma_start3A_21 = tpu.memref_slice %arg4[%add3A, %dma_start3A_19, %dma_start3A_20] : memref<32x80x125xi32, #tpu.memory_space<hbm>> -> memref<1x80x125xi32, #tpu.memory_space<hbm>>
      %dma_start3A_22 = tpu.memref_squeeze %dma_start3A_21 : memref<1x80x125xi32, #tpu.memory_space<hbm>> -> memref<80x125xi32, #tpu.memory_space<hbm>>
      tpu.enqueue_dma source(%dma_start3A_22 : memref<80x125xi32, #tpu.memory_space<hbm>>) target(%arg8 : memref<80x125xi32, #tpu.memory_space<vmem>>) target_semaphore(%run_scoped3A : memref<!tpu.dma_semaphore, #tpu.memory_space<semaphore_mem>>)
      %dma_wait3A = arith.constant 0 : i32
      %dma_wait3A_23 = arith.constant 0 : i32
      %dma_wait3A_24 = tpu.memref_slice %arg4[%add3A, %dma_wait3A, %dma_wait3A_23] : memref<32x80x125xi32, #tpu.memory_space<hbm>> -> memref<1x80x125xi32, #tpu.memory_space<hbm>>
      %dma_wait3A_25 = tpu.memref_squeeze %dma_wait3A_24 : memref<1x80x125xi32, #tpu.memory_space<hbm>> -> memref<80x125xi32, #tpu.memory_space<hbm>>
      %dma_wait3A_26 = arith.constant 0 : i32
      %dma_wait3A_27 = arith.constant 0 : i32
      %dma_wait3A_28 = tpu.memref_slice %arg4[%add3A, %dma_wait3A_26, %dma_wait3A_27] : memref<32x80x125xi32, #tpu.memory_space<hbm>> -> memref<1x80x125xi32, #tpu.memory_space<hbm>>
      %dma_wait3A_29 = tpu.memref_squeeze %dma_wait3A_28 : memref<1x80x125xi32, #tpu.memory_space<hbm>> -> memref<80x125xi32, #tpu.memory_space<hbm>>
      tpu.wait_dma2 semaphore(%run_scoped3A : memref<!tpu.dma_semaphore, #tpu.memory_space<semaphore_mem>>) src(%dma_wait3A_29 : memref<80x125xi32, #tpu.memory_space<hbm>>) dst(%arg8 : memref<80x125xi32, #tpu.memory_space<vmem>>)
      tpu.yield
    }) : () -> ()
    "tpu.region"() ({
      %run_scoped3A = tpu.sem_alloc : memref<!tpu.dma_semaphore, #tpu.memory_space<semaphore_mem>>
      %dma_start3A_15 = arith.constant 0 : i32
      %dma_start3A_16 = tpu.memref_slice %arg12[%multiple_of3A, %dma_start3A_15] : memref<10112x32xf32, #tpu.memory_space<vmem_shared>> -> memref<632x32xf32, #tpu.memory_space<vmem_shared>>
      %dma_start3A_17 = arith.constant 0 : i32
      %dma_start3A_18 = tpu.memref_slice %arg2[%multiple_of3A, %dma_start3A_17] : memref<10112x32xf32, #tpu.memory_space<hbm>> -> memref<632x32xf32, #tpu.memory_space<hbm>>
      tpu.enqueue_dma source(%dma_start3A_18 : memref<632x32xf32, #tpu.memory_space<hbm>>) target(%dma_start3A_16 : memref<632x32xf32, #tpu.memory_space<vmem_shared>>) target_semaphore(%run_scoped3A : memref<!tpu.dma_semaphore, #tpu.memory_space<semaphore_mem>>)
      %dma_wait3A = arith.constant 0 : i32
      %dma_wait3A_19 = tpu.memref_slice %arg12[%multiple_of3A, %dma_wait3A] : memref<10112x32xf32, #tpu.memory_space<vmem_shared>> -> memref<632x32xf32, #tpu.memory_space<vmem_shared>>
      %dma_wait3A_20 = arith.constant 0 : i32
      %dma_wait3A_21 = tpu.memref_slice %arg2[%multiple_of3A, %dma_wait3A_20] : memref<10112x32xf32, #tpu.memory_space<hbm>> -> memref<632x32xf32, #tpu.memory_space<hbm>>
      tpu.wait_dma2 semaphore(%run_scoped3A : memref<!tpu.dma_semaphore, #tpu.memory_space<semaphore_mem>>) src(%dma_wait3A_21 : memref<632x32xf32, #tpu.memory_space<hbm>>) dst(%dma_wait3A_19 : memref<632x32xf32, #tpu.memory_space<vmem_shared>>)
      tpu.yield
    }) : () -> ()
    "tpu.region"() ({
      %run_scoped3A = tpu.sem_alloc : memref<!tpu.dma_semaphore, #tpu.memory_space<semaphore_mem>>
      %dma_start3A_15 = arith.constant 0 : i32
      %dma_start3A_16 = tpu.memref_slice %arg11[%multiple_of3A, %dma_start3A_15] : memref<10112x32xf32, #tpu.memory_space<vmem_shared>> -> memref<632x32xf32, #tpu.memory_space<vmem_shared>>
      %dma_start3A_17 = arith.constant 0 : i32
      %dma_start3A_18 = tpu.memref_slice %arg5[%multiple_of3A, %dma_start3A_17] : memref<10112x32xf32, #tpu.memory_space<hbm>> -> memref<632x32xf32, #tpu.memory_space<hbm>>
      tpu.enqueue_dma source(%dma_start3A_18 : memref<632x32xf32, #tpu.memory_space<hbm>>) target(%dma_start3A_16 : memref<632x32xf32, #tpu.memory_space<vmem_shared>>) target_semaphore(%run_scoped3A : memref<!tpu.dma_semaphore, #tpu.memory_space<semaphore_mem>>)
      %dma_wait3A = arith.constant 0 : i32
      %dma_wait3A_19 = tpu.memref_slice %arg11[%multiple_of3A, %dma_wait3A] : memref<10112x32xf32, #tpu.memory_space<vmem_shared>> -> memref<632x32xf32, #tpu.memory_space<vmem_shared>>
      %dma_wait3A_20 = arith.constant 0 : i32
      %dma_wait3A_21 = tpu.memref_slice %arg5[%multiple_of3A, %dma_wait3A_20] : memref<10112x32xf32, #tpu.memory_space<hbm>> -> memref<632x32xf32, #tpu.memory_space<hbm>>
      tpu.wait_dma2 semaphore(%run_scoped3A : memref<!tpu.dma_semaphore, #tpu.memory_space<semaphore_mem>>) src(%dma_wait3A_21 : memref<632x32xf32, #tpu.memory_space<hbm>>) dst(%dma_wait3A_19 : memref<632x32xf32, #tpu.memory_space<vmem_shared>>)
      tpu.yield
    }) : () -> ()
    %barrier3A = arith.constant 0 : index
    tpu.barrier barrier_id(%barrier3A)
    %dma_start3A = arith.constant 0 : i32
    %dma_start3A_3 = arith.constant 0 : i32
    %dma_start3A_4 = tpu.memref_slice %arg7[%dma_start3A, %dma_start3A_3] : memref<80x125xi32, #tpu.memory_space<vmem>> -> memref<1x125xi32, #tpu.memory_space<vmem>>
    %dma_start3A_5 = tpu.memref_squeeze %dma_start3A_4 : memref<1x125xi32, #tpu.memory_space<vmem>> -> memref<125xi32, #tpu.memory_space<vmem>>
    %dma_start3A_6 = arith.constant 0 : i32
    %dma_start3A_7 = arith.constant 0 : i32
    %dma_start3A_8 = tpu.memref_slice %arg12[%dma_start3A_6, %dma_start3A_7] : memref<10112x32xf32, #tpu.memory_space<vmem_shared>> -> memref<10112x32xf32, #tpu.memory_space<vmem_shared>>
    tpu.enqueue_indirect_dma source(%dma_start3A_8 : memref<10112x32xf32, #tpu.memory_space<vmem_shared>>) target(%arg9 : memref<125x32xf32, #tpu.memory_space<vmem>>) offsets(%dma_start3A_5 : memref<125xi32, #tpu.memory_space<vmem>>) semaphore(%arg13 : memref<!tpu.dma_semaphore, #tpu.memory_space<semaphore_mem>>)
    %scan3A = arith.constant 0 : i32
    %scan3A_9 = arith.constant 0 : i32
    %scan3A_10 = arith.constant 40 : i32
    %scan3A_11 = arith.addi %scan3A_9, %scan3A_10 : i32
    %scan3A_12 = arith.constant 1 : i32
    scf.for %scan3A_15 = %scan3A_9 to %scan3A_11 step %scan3A_12  : i32 {
      %mul3A_16 = arith.constant 2 : i32
      %mul3A_17 = arith.muli %mul3A_16, %scan3A_15 : i32
      %add3A_18 = arith.constant 1 : i32
      %add3A_19 = arith.addi %mul3A_17, %add3A_18 : i32
      %dma_start3A_20 = arith.constant 0 : i32
      %dma_start3A_21 = tpu.memref_slice %arg7[%add3A_19, %dma_start3A_20] : memref<80x125xi32, #tpu.memory_space<vmem>> -> memref<1x125xi32, #tpu.memory_space<vmem>>
      %dma_start3A_22 = tpu.memref_squeeze %dma_start3A_21 : memref<1x125xi32, #tpu.memory_space<vmem>> -> memref<125xi32, #tpu.memory_space<vmem>>
      %dma_start3A_23 = arith.constant 0 : i32
      %dma_start3A_24 = arith.constant 0 : i32
      %dma_start3A_25 = tpu.memref_slice %arg12[%dma_start3A_23, %dma_start3A_24] : memref<10112x32xf32, #tpu.memory_space<vmem_shared>> -> memref<10112x32xf32, #tpu.memory_space<vmem_shared>>
      tpu.enqueue_indirect_dma source(%dma_start3A_25 : memref<10112x32xf32, #tpu.memory_space<vmem_shared>>) target(%arg10 : memref<125x32xf32, #tpu.memory_space<vmem>>) offsets(%dma_start3A_22 : memref<125xi32, #tpu.memory_space<vmem>>) semaphore(%arg14 : memref<!tpu.dma_semaphore, #tpu.memory_space<semaphore_mem>>)
      %dma_wait3A = arith.constant 0 : i32
      %dma_wait3A_26 = tpu.memref_slice %arg7[%mul3A_17, %dma_wait3A] : memref<80x125xi32, #tpu.memory_space<vmem>> -> memref<1x125xi32, #tpu.memory_space<vmem>>
      %dma_wait3A_27 = tpu.memref_squeeze %dma_wait3A_26 : memref<1x125xi32, #tpu.memory_space<vmem>> -> memref<125xi32, #tpu.memory_space<vmem>>
      %dma_wait3A_28 = arith.constant 0 : i32
      %dma_wait3A_29 = arith.constant 0 : i32
      %dma_wait3A_30 = tpu.memref_slice %arg12[%dma_wait3A_28, %dma_wait3A_29] : memref<10112x32xf32, #tpu.memory_space<vmem_shared>> -> memref<10112x32xf32, #tpu.memory_space<vmem_shared>>
      tpu.wait_indirect_dma semaphore(%arg13 : memref<!tpu.dma_semaphore, #tpu.memory_space<semaphore_mem>>) src(%dma_wait3A_30 : memref<10112x32xf32, #tpu.memory_space<vmem_shared>>) dst(%arg9 : memref<125x32xf32, #tpu.memory_space<vmem>>)
      "tpu.region"() ({
        %run_scoped3A = tpu.sem_alloc : memref<!tpu.dma_semaphore, #tpu.memory_space<semaphore_mem>>
        %dma_start3A_41 = arith.constant 0 : i32
        %dma_start3A_42 = tpu.memref_slice %arg8[%mul3A_17, %dma_start3A_41] : memref<80x125xi32, #tpu.memory_space<vmem>> -> memref<1x125xi32, #tpu.memory_space<vmem>>
        %dma_start3A_43 = tpu.memref_squeeze %dma_start3A_42 : memref<1x125xi32, #tpu.memory_space<vmem>> -> memref<125xi32, #tpu.memory_space<vmem>>
        %dma_start3A_44 = arith.constant 0 : i32
        %dma_start3A_45 = arith.constant 0 : i32
        %dma_start3A_46 = tpu.memref_slice %arg11[%dma_start3A_44, %dma_start3A_45] : memref<10112x32xf32, #tpu.memory_space<vmem_shared>> -> memref<10112x32xf32, #tpu.memory_space<vmem_shared>>
        tpu.enqueue_indirect_dma source(%arg9 : memref<125x32xf32, #tpu.memory_space<vmem>>) target(%dma_start3A_46 : memref<10112x32xf32, #tpu.memory_space<vmem_shared>>) offsets(%dma_start3A_43 : memref<125xi32, #tpu.memory_space<vmem>>) semaphore(%run_scoped3A : memref<!tpu.dma_semaphore, #tpu.memory_space<semaphore_mem>>) {add = true}
        %dma_wait3A_47 = arith.constant 0 : i32
        %dma_wait3A_48 = tpu.memref_slice %arg8[%mul3A_17, %dma_wait3A_47] : memref<80x125xi32, #tpu.memory_space<vmem>> -> memref<1x125xi32, #tpu.memory_space<vmem>>
        %dma_wait3A_49 = tpu.memref_squeeze %dma_wait3A_48 : memref<1x125xi32, #tpu.memory_space<vmem>> -> memref<125xi32, #tpu.memory_space<vmem>>
        %dma_wait3A_50 = arith.constant 0 : i32
        %dma_wait3A_51 = arith.constant 0 : i32
        %dma_wait3A_52 = tpu.memref_slice %arg11[%dma_wait3A_50, %dma_wait3A_51] : memref<10112x32xf32, #tpu.memory_space<vmem_shared>> -> memref<10112x32xf32, #tpu.memory_space<vmem_shared>>
        tpu.wait_indirect_dma semaphore(%run_scoped3A : memref<!tpu.dma_semaphore, #tpu.memory_space<semaphore_mem>>) src(%arg9 : memref<125x32xf32, #tpu.memory_space<vmem>>) dst(%dma_wait3A_52 : memref<10112x32xf32, #tpu.memory_space<vmem_shared>>)
        tpu.yield
      }) : () -> ()
      %add3A_31 = arith.constant 2 : i32
      %add3A_32 = arith.addi %mul3A_17, %add3A_31 : i32
      %lt3A = arith.constant 80 : i32
      %lt3A_33 = arith.cmpi slt, %add3A_32, %lt3A : i32
      %convert_element_type3A = arith.extui %lt3A_33 : i1 to i32
      %cond3A = arith.constant 0 : i32
      %cond3A_34 = arith.cmpi ne, %convert_element_type3A, %cond3A : i32
      scf.if %cond3A_34 {
        %add3A_41 = arith.constant 2 : i32
        %add3A_42 = arith.addi %mul3A_17, %add3A_41 : i32
        %dma_start3A_43 = arith.constant 0 : i32
        %dma_start3A_44 = tpu.memref_slice %arg7[%add3A_42, %dma_start3A_43] : memref<80x125xi32, #tpu.memory_space<vmem>> -> memref<1x125xi32, #tpu.memory_space<vmem>>
        %dma_start3A_45 = tpu.memref_squeeze %dma_start3A_44 : memref<1x125xi32, #tpu.memory_space<vmem>> -> memref<125xi32, #tpu.memory_space<vmem>>
        %dma_start3A_46 = arith.constant 0 : i32
        %dma_start3A_47 = arith.constant 0 : i32
        %dma_start3A_48 = tpu.memref_slice %arg12[%dma_start3A_46, %dma_start3A_47] : memref<10112x32xf32, #tpu.memory_space<vmem_shared>> -> memref<10112x32xf32, #tpu.memory_space<vmem_shared>>
        tpu.enqueue_indirect_dma source(%dma_start3A_48 : memref<10112x32xf32, #tpu.memory_space<vmem_shared>>) target(%arg9 : memref<125x32xf32, #tpu.memory_space<vmem>>) offsets(%dma_start3A_45 : memref<125xi32, #tpu.memory_space<vmem>>) semaphore(%arg13 : memref<!tpu.dma_semaphore, #tpu.memory_space<semaphore_mem>>)
      } else {
      }
      %dma_wait3A_35 = arith.constant 0 : i32
      %dma_wait3A_36 = tpu.memref_slice %arg7[%add3A_19, %dma_wait3A_35] : memref<80x125xi32, #tpu.memory_space<vmem>> -> memref<1x125xi32, #tpu.memory_space<vmem>>
      %dma_wait3A_37 = tpu.memref_squeeze %dma_wait3A_36 : memref<1x125xi32, #tpu.memory_space<vmem>> -> memref<125xi32, #tpu.memory_space<vmem>>
      %dma_wait3A_38 = arith.constant 0 : i32
      %dma_wait3A_39 = arith.constant 0 : i32
      %dma_wait3A_40 = tpu.memref_slice %arg12[%dma_wait3A_38, %dma_wait3A_39] : memref<10112x32xf32, #tpu.memory_space<vmem_shared>> -> memref<10112x32xf32, #tpu.memory_space<vmem_shared>>
      tpu.wait_indirect_dma semaphore(%arg14 : memref<!tpu.dma_semaphore, #tpu.memory_space<semaphore_mem>>) src(%dma_wait3A_40 : memref<10112x32xf32, #tpu.memory_space<vmem_shared>>) dst(%arg10 : memref<125x32xf32, #tpu.memory_space<vmem>>)
      "tpu.region"() ({
        %run_scoped3A = tpu.sem_alloc : memref<!tpu.dma_semaphore, #tpu.memory_space<semaphore_mem>>
        %dma_start3A_41 = arith.constant 0 : i32
        %dma_start3A_42 = tpu.memref_slice %arg8[%add3A_19, %dma_start3A_41] : memref<80x125xi32, #tpu.memory_space<vmem>> -> memref<1x125xi32, #tpu.memory_space<vmem>>
        %dma_start3A_43 = tpu.memref_squeeze %dma_start3A_42 : memref<1x125xi32, #tpu.memory_space<vmem>> -> memref<125xi32, #tpu.memory_space<vmem>>
        %dma_start3A_44 = arith.constant 0 : i32
        %dma_start3A_45 = arith.constant 0 : i32
        %dma_start3A_46 = tpu.memref_slice %arg11[%dma_start3A_44, %dma_start3A_45] : memref<10112x32xf32, #tpu.memory_space<vmem_shared>> -> memref<10112x32xf32, #tpu.memory_space<vmem_shared>>
        tpu.enqueue_indirect_dma source(%arg10 : memref<125x32xf32, #tpu.memory_space<vmem>>) target(%dma_start3A_46 : memref<10112x32xf32, #tpu.memory_space<vmem_shared>>) offsets(%dma_start3A_43 : memref<125xi32, #tpu.memory_space<vmem>>) semaphore(%run_scoped3A : memref<!tpu.dma_semaphore, #tpu.memory_space<semaphore_mem>>) {add = true}
        %dma_wait3A_47 = arith.constant 0 : i32
        %dma_wait3A_48 = tpu.memref_slice %arg8[%add3A_19, %dma_wait3A_47] : memref<80x125xi32, #tpu.memory_space<vmem>> -> memref<1x125xi32, #tpu.memory_space<vmem>>
        %dma_wait3A_49 = tpu.memref_squeeze %dma_wait3A_48 : memref<1x125xi32, #tpu.memory_space<vmem>> -> memref<125xi32, #tpu.memory_space<vmem>>
        %dma_wait3A_50 = arith.constant 0 : i32
        %dma_wait3A_51 = arith.constant 0 : i32
        %dma_wait3A_52 = tpu.memref_slice %arg11[%dma_wait3A_50, %dma_wait3A_51] : memref<10112x32xf32, #tpu.memory_space<vmem_shared>> -> memref<10112x32xf32, #tpu.memory_space<vmem_shared>>
        tpu.wait_indirect_dma semaphore(%run_scoped3A : memref<!tpu.dma_semaphore, #tpu.memory_space<semaphore_mem>>) src(%arg10 : memref<125x32xf32, #tpu.memory_space<vmem>>) dst(%dma_wait3A_52 : memref<10112x32xf32, #tpu.memory_space<vmem_shared>>)
        tpu.yield
      }) : () -> ()
    }
    %scan3A_13 = arith.constant 40 : i32
    %barrier3A_14 = arith.constant 0 : index
    tpu.barrier barrier_id(%barrier3A_14)
    "tpu.region"() ({
      %run_scoped3A = tpu.sem_alloc : memref<!tpu.dma_semaphore, #tpu.memory_space<semaphore_mem>>
      %dma_start3A_15 = arith.constant 0 : i32
      %dma_start3A_16 = tpu.memref_slice %arg6[%arg0, %multiple_of3A, %dma_start3A_15] : memref<2x10112x32xf32, #tpu.memory_space<hbm>> -> memref<1x632x32xf32, #tpu.memory_space<hbm>>
      %dma_start3A_17 = tpu.memref_squeeze %dma_start3A_16 : memref<1x632x32xf32, #tpu.memory_space<hbm>> -> memref<632x32xf32, #tpu.memory_space<hbm>>
      %dma_start3A_18 = arith.constant 0 : i32
      %dma_start3A_19 = tpu.memref_slice %arg11[%multiple_of3A, %dma_start3A_18] : memref<10112x32xf32, #tpu.memory_space<vmem_shared>> -> memref<632x32xf32, #tpu.memory_space<vmem_shared>>
      tpu.enqueue_dma source(%dma_start3A_19 : memref<632x32xf32, #tpu.memory_space<vmem_shared>>) target(%dma_start3A_17 : memref<632x32xf32, #tpu.memory_space<hbm>>) target_semaphore(%run_scoped3A : memref<!tpu.dma_semaphore, #tpu.memory_space<semaphore_mem>>)
      %dma_wait3A = arith.constant 0 : i32
      %dma_wait3A_20 = tpu.memref_slice %arg6[%arg0, %multiple_of3A, %dma_wait3A] : memref<2x10112x32xf32, #tpu.memory_space<hbm>> -> memref<1x632x32xf32, #tpu.memory_space<hbm>>
      %dma_wait3A_21 = tpu.memref_squeeze %dma_wait3A_20 : memref<1x632x32xf32, #tpu.memory_space<hbm>> -> memref<632x32xf32, #tpu.memory_space<hbm>>
      %dma_wait3A_22 = arith.constant 0 : i32
      %dma_wait3A_23 = tpu.memref_slice %arg11[%multiple_of3A, %dma_wait3A_22] : memref<10112x32xf32, #tpu.memory_space<vmem_shared>> -> memref<632x32xf32, #tpu.memory_space<vmem_shared>>
      tpu.wait_dma2 semaphore(%run_scoped3A : memref<!tpu.dma_semaphore, #tpu.memory_space<semaphore_mem>>) src(%dma_wait3A_23 : memref<632x32xf32, #tpu.memory_space<vmem_shared>>) dst(%dma_wait3A_21 : memref<632x32xf32, #tpu.memory_space<hbm>>)
      tpu.yield
    }) : () -> ()
    return
  }
}

module attributes {stable_mosaic.version = 14 : i64} {
  func.func @_dense1_body(%arg0: i32, %arg1: memref<2x2000x8xf32, #tpu.memory_space<vmem>>, %arg2: memref<2000x128xf32, #tpu.memory_space<vmem>>, %arg3: memref<128x32xf32, #tpu.memory_space<vmem>>, %arg4: memref<2000x32xf32, #tpu.memory_space<vmem>>) attributes {dimension_semantics = [#tpu.dimension_semantics<arbitrary>], iteration_bounds = array<i64: 5>, scalar_prefetch = 0 : i64, scratch_operands = 0 : i64, tpu.core_type = #tpu.core_type<tc>, window_params = [{transform_indices = @transform_0, window_bounds = array<i64: 2, 2000, 8>}, {transform_indices = @transform_1, window_bounds = array<i64: 2000, 128>}, {pipeline_mode = #tpu.pipeline_mode<synchronous>, transform_indices = @transform_2, window_bounds = array<i64: 128, 32>}, {transform_indices = @transform_3, window_bounds = array<i64: 2000, 32>}]} {
    %get3A = arith.constant 0 : index
    %get3A_0 = arith.constant 0 : index
    %get3A_1 = arith.constant 0 : index
    %get3A_2 = vector.load %arg1[%get3A, %get3A_0, %get3A_1] : memref<2x2000x8xf32, #tpu.memory_space<vmem>>, vector<1x2000x1xf32>
    %get3A_3 = vector.shape_cast %get3A_2 : vector<1x2000x1xf32> to vector<2000xf32>
    %get3A_4 = arith.constant 1 : index
    %get3A_5 = arith.constant 0 : index
    %get3A_6 = arith.constant 0 : index
    %get3A_7 = vector.load %arg1[%get3A_4, %get3A_5, %get3A_6] : memref<2x2000x8xf32, #tpu.memory_space<vmem>>, vector<1x2000x1xf32>
    %get3A_8 = vector.shape_cast %get3A_7 : vector<1x2000x1xf32> to vector<2000xf32>
    %add3A = arith.addf %get3A_3, %get3A_8 : vector<2000xf32>
    %add3A_9 = arith.constant 1.000000e+00 : f32
    %add3A_10 = vector.broadcast %add3A_9 : f32 to vector<2000xf32>
    %add3A_11 = arith.addf %add3A, %add3A_10 : vector<2000xf32>
    %max3A = arith.constant 1.000000e+00 : f32
    %max3A_12 = vector.broadcast %max3A : f32 to vector<2000xf32>
    %max3A_13 = arith.maximumf %add3A_11, %max3A_12 : vector<2000xf32>
    %rsqrt3A = math.rsqrt %max3A_13 : vector<2000xf32>
    %get3A_14 = arith.constant 0 : index
    %get3A_15 = arith.constant 0 : index
    %get3A_16 = vector.load %arg2[%get3A_14, %get3A_15] : memref<2000x128xf32, #tpu.memory_space<vmem>>, vector<2000x128xf32>
    %get3A_17 = arith.constant 0 : index
    %get3A_18 = arith.constant 0 : index
    %get3A_19 = vector.load %arg3[%get3A_17, %get3A_18] : memref<128x32xf32, #tpu.memory_space<vmem>>, vector<128x32xf32>
    %dot_general3A = arith.constant dense<0.000000e+00> : vector<2000x32xf32>
    %dot_general3A_20 = tpu.matmul %get3A_16, %get3A_19, %dot_general3A {dimension_numbers = #tpu.dot_dimension_numbers<[1], [0], [0], [1], [0, 0, 1, 1], [], []>, transpose_lhs_hint = false} : vector<2000x128xf32>, vector<128x32xf32>, vector<2000x32xf32> -> vector<2000x32xf32>
    %broadcast_in_dim3A = vector.shape_cast %rsqrt3A : vector<2000xf32> to vector<2000x1xf32>
    %mul3A = vector.broadcast %broadcast_in_dim3A : vector<2000x1xf32> to vector<2000x32xf32>
    %mul3A_21 = arith.mulf %dot_general3A_20, %mul3A : vector<2000x32xf32>
    %swap3A = arith.constant 0 : index
    %swap3A_22 = arith.constant 0 : index
    %swap3A_23 = vector.load %arg4[%swap3A, %swap3A_22] : memref<2000x32xf32, #tpu.memory_space<vmem>>, vector<2000x32xf32>
    tpu.vector_store %arg4[%swap3A, %swap3A_22], %mul3A_21 {strides = array<i32>} : memref<2000x32xf32, #tpu.memory_space<vmem>>, vector<2000x32xf32>,
    return
  }
  func.func @transform_0(%arg0: i32) -> (i32, i32, i32) {
    %c0_i32 = arith.constant 0 : i32
    %c0_i32_0 = arith.constant 0 : i32
    %c0_i32_1 = arith.constant 0 : i32
    return %c0_i32, %arg0, %c0_i32_0 : i32, i32, i32
  }
  func.func @transform_1(%arg0: i32) -> (i32, i32) {
    %c0_i32 = arith.constant 0 : i32
    %c0_i32_0 = arith.constant 0 : i32
    return %arg0, %c0_i32 : i32, i32
  }
  func.func @transform_2(%arg0: i32) -> (i32, i32) {
    %c0_i32 = arith.constant 0 : i32
    %c0_i32_0 = arith.constant 0 : i32
    %c0_i32_1 = arith.constant 0 : i32
    return %c0_i32, %c0_i32_0 : i32, i32
  }
  func.func @transform_3(%arg0: i32) -> (i32, i32) {
    %c0_i32 = arith.constant 0 : i32
    %c0_i32_0 = arith.constant 0 : i32
    return %arg0, %c0_i32 : i32, i32
  }
}

module attributes {stable_mosaic.version = 14 : i64} {
  func.func @_dense_mid_body(%arg0: i32, %arg1: memref<2x2000x32xf32, #tpu.memory_space<vmem>>, %arg2: memref<2000x32xf32, #tpu.memory_space<vmem>>, %arg3: memref<2x2000x8xf32, #tpu.memory_space<vmem>>, %arg4: memref<32xf32, #tpu.memory_space<vmem>>, %arg5: memref<32x32xf32, #tpu.memory_space<vmem>>, %arg6: memref<2000x32xf32, #tpu.memory_space<vmem>>) attributes {dimension_semantics = [#tpu.dimension_semantics<arbitrary>], iteration_bounds = array<i64: 5>, scalar_prefetch = 0 : i64, scratch_operands = 0 : i64, tpu.core_type = #tpu.core_type<tc>, window_params = [{transform_indices = @transform_0, window_bounds = array<i64: 2, 2000, 32>}, {transform_indices = @transform_1, window_bounds = array<i64: 2000, 32>}, {transform_indices = @transform_2, window_bounds = array<i64: 2, 2000, 8>}, {pipeline_mode = #tpu.pipeline_mode<synchronous>, transform_indices = @transform_3, window_bounds = array<i64: 32>}, {pipeline_mode = #tpu.pipeline_mode<synchronous>, transform_indices = @transform_4, window_bounds = array<i64: 32, 32>}, {transform_indices = @transform_5, window_bounds = array<i64: 2000, 32>}]} {
    %get3A = arith.constant 0 : index
    %get3A_0 = arith.constant 0 : index
    %get3A_1 = arith.constant 0 : index
    %get3A_2 = vector.load %arg3[%get3A, %get3A_0, %get3A_1] : memref<2x2000x8xf32, #tpu.memory_space<vmem>>, vector<1x2000x1xf32>
    %get3A_3 = vector.shape_cast %get3A_2 : vector<1x2000x1xf32> to vector<2000xf32>
    %get3A_4 = arith.constant 1 : index
    %get3A_5 = arith.constant 0 : index
    %get3A_6 = arith.constant 0 : index
    %get3A_7 = vector.load %arg3[%get3A_4, %get3A_5, %get3A_6] : memref<2x2000x8xf32, #tpu.memory_space<vmem>>, vector<1x2000x1xf32>
    %get3A_8 = vector.shape_cast %get3A_7 : vector<1x2000x1xf32> to vector<2000xf32>
    %add3A = arith.addf %get3A_3, %get3A_8 : vector<2000xf32>
    %add3A_9 = arith.constant 1.000000e+00 : f32
    %add3A_10 = vector.broadcast %add3A_9 : f32 to vector<2000xf32>
    %add3A_11 = arith.addf %add3A, %add3A_10 : vector<2000xf32>
    %max3A = arith.constant 1.000000e+00 : f32
    %max3A_12 = vector.broadcast %max3A : f32 to vector<2000xf32>
    %max3A_13 = arith.maximumf %add3A_11, %max3A_12 : vector<2000xf32>
    %rsqrt3A = math.rsqrt %max3A_13 : vector<2000xf32>
    %get3A_14 = arith.constant 0 : index
    %get3A_15 = arith.constant 0 : index
    %get3A_16 = arith.constant 0 : index
    %get3A_17 = vector.load %arg1[%get3A_14, %get3A_15, %get3A_16] : memref<2x2000x32xf32, #tpu.memory_space<vmem>>, vector<2x2000x32xf32>
    %slice3A = vector.extract_strided_slice %get3A_17 {offsets = [0, 0, 0], sizes = [1, 2000, 32], strides = [1, 1, 1]} : vector<2x2000x32xf32> to vector<1x2000x32xf32>
    %squeeze3A = vector.shape_cast %slice3A : vector<1x2000x32xf32> to vector<2000x32xf32>
    %slice3A_18 = vector.extract_strided_slice %get3A_17 {offsets = [1, 0, 0], sizes = [1, 2000, 32], strides = [1, 1, 1]} : vector<2x2000x32xf32> to vector<1x2000x32xf32>
    %squeeze3A_19 = vector.shape_cast %slice3A_18 : vector<1x2000x32xf32> to vector<2000x32xf32>
    %add3A_20 = arith.addf %squeeze3A, %squeeze3A_19 : vector<2000x32xf32>
    %get3A_21 = arith.constant 0 : index
    %get3A_22 = arith.constant 0 : index
    %get3A_23 = vector.load %arg2[%get3A_21, %get3A_22] : memref<2000x32xf32, #tpu.memory_space<vmem>>, vector<2000x32xf32>
    %add3A_24 = arith.addf %add3A_20, %get3A_23 : vector<2000x32xf32>
    %broadcast_in_dim3A = vector.shape_cast %rsqrt3A : vector<2000xf32> to vector<2000x1xf32>
    %mul3A = vector.broadcast %broadcast_in_dim3A : vector<2000x1xf32> to vector<2000x32xf32>
    %mul3A_25 = arith.mulf %add3A_24, %mul3A : vector<2000x32xf32>
    %get3A_26 = arith.constant 0 : index
    %get3A_27 = vector.load %arg4[%get3A_26] : memref<32xf32, #tpu.memory_space<vmem>>, vector<32xf32>
    %broadcast_in_dim3A_28 = vector.shape_cast %get3A_27 : vector<32xf32> to vector<1x32xf32>
    %add3A_29 = vector.broadcast %broadcast_in_dim3A_28 : vector<1x32xf32> to vector<2000x32xf32>
    %add3A_30 = arith.addf %mul3A_25, %add3A_29 : vector<2000x32xf32>
    %max3A_31 = arith.constant 0.000000e+00 : f32
    %max3A_32 = vector.broadcast %max3A_31 : f32 to vector<2000x32xf32>
    %max3A_33 = arith.maximumf %add3A_30, %max3A_32 : vector<2000x32xf32>
    %get3A_34 = arith.constant 0 : index
    %get3A_35 = arith.constant 0 : index
    %get3A_36 = vector.load %arg5[%get3A_34, %get3A_35] : memref<32x32xf32, #tpu.memory_space<vmem>>, vector<32x32xf32>
    %dot_general3A = arith.constant dense<0.000000e+00> : vector<2000x32xf32>
    %dot_general3A_37 = tpu.matmul %max3A_33, %get3A_36, %dot_general3A {dimension_numbers = #tpu.dot_dimension_numbers<[1], [0], [0], [1], [0, 0, 1, 1], [], []>, transpose_lhs_hint = false} : vector<2000x32xf32>, vector<32x32xf32>, vector<2000x32xf32> -> vector<2000x32xf32>
    %broadcast_in_dim3A_38 = vector.shape_cast %rsqrt3A : vector<2000xf32> to vector<2000x1xf32>
    %mul3A_39 = vector.broadcast %broadcast_in_dim3A_38 : vector<2000x1xf32> to vector<2000x32xf32>
    %mul3A_40 = arith.mulf %dot_general3A_37, %mul3A_39 : vector<2000x32xf32>
    %swap3A = arith.constant 0 : index
    %swap3A_41 = arith.constant 0 : index
    %swap3A_42 = vector.load %arg6[%swap3A, %swap3A_41] : memref<2000x32xf32, #tpu.memory_space<vmem>>, vector<2000x32xf32>
    tpu.vector_store %arg6[%swap3A, %swap3A_41], %mul3A_40 {strides = array<i32>} : memref<2000x32xf32, #tpu.memory_space<vmem>>, vector<2000x32xf32>,
    return
  }
  func.func @transform_0(%arg0: i32) -> (i32, i32, i32) {
    %c0_i32 = arith.constant 0 : i32
    %c0_i32_0 = arith.constant 0 : i32
    %c0_i32_1 = arith.constant 0 : i32
    return %c0_i32, %arg0, %c0_i32_0 : i32, i32, i32
  }
  func.func @transform_1(%arg0: i32) -> (i32, i32) {
    %c0_i32 = arith.constant 0 : i32
    %c0_i32_0 = arith.constant 0 : i32
    return %arg0, %c0_i32 : i32, i32
  }
  func.func @transform_2(%arg0: i32) -> (i32, i32, i32) {
    %c0_i32 = arith.constant 0 : i32
    %c0_i32_0 = arith.constant 0 : i32
    %c0_i32_1 = arith.constant 0 : i32
    return %c0_i32, %arg0, %c0_i32_0 : i32, i32, i32
  }
  func.func @transform_3(%arg0: i32) -> i32 {
    %c0_i32 = arith.constant 0 : i32
    %c0_i32_0 = arith.constant 0 : i32
    return %c0_i32 : i32
  }
  func.func @transform_4(%arg0: i32) -> (i32, i32) {
    %c0_i32 = arith.constant 0 : i32
    %c0_i32_0 = arith.constant 0 : i32
    %c0_i32_1 = arith.constant 0 : i32
    return %c0_i32, %c0_i32_0 : i32, i32
  }
  func.func @transform_5(%arg0: i32) -> (i32, i32) {
    %c0_i32 = arith.constant 0 : i32
    %c0_i32_0 = arith.constant 0 : i32
    return %arg0, %c0_i32 : i32, i32
  }
}

module attributes {stable_mosaic.version = 14 : i64} {
  func.func @_dense_out_body(%arg0: memref<2x10112x32xf32, #tpu.memory_space<vmem>>, %arg1: memref<10112x32xf32, #tpu.memory_space<vmem>>, %arg2: memref<2x10112x8xf32, #tpu.memory_space<vmem>>, %arg3: memref<32xf32, #tpu.memory_space<vmem>>, %arg4: memref<10000xi32, #tpu.memory_space<vmem>>, %arg5: memref<32x64xf32, #tpu.memory_space<vmem>>, %arg6: memref<64xf32, #tpu.memory_space<vmem>>, %arg7: memref<16x64xf32, #tpu.memory_space<vmem>>) attributes {dimension_semantics = [], scalar_prefetch = 0 : i64, scratch_operands = 0 : i64, tpu.core_type = #tpu.core_type<tc>} {
    %get3A = arith.constant 0 : index
    %get3A_0 = arith.constant 0 : index
    %get3A_1 = arith.constant 0 : index
    %get3A_2 = vector.load %arg2[%get3A, %get3A_0, %get3A_1] : memref<2x10112x8xf32, #tpu.memory_space<vmem>>, vector<2x10112x8xf32>
    %slice3A = vector.extract_strided_slice %get3A_2 {offsets = [0, 0, 0], sizes = [1, 10000, 1], strides = [1, 1, 1]} : vector<2x10112x8xf32> to vector<1x10000x1xf32>
    %squeeze3A = vector.shape_cast %slice3A : vector<1x10000x1xf32> to vector<10000xf32>
    %slice3A_3 = vector.extract_strided_slice %get3A_2 {offsets = [1, 0, 0], sizes = [1, 10000, 1], strides = [1, 1, 1]} : vector<2x10112x8xf32> to vector<1x10000x1xf32>
    %squeeze3A_4 = vector.shape_cast %slice3A_3 : vector<1x10000x1xf32> to vector<10000xf32>
    %add3A = arith.addf %squeeze3A, %squeeze3A_4 : vector<10000xf32>
    %add3A_5 = arith.constant 1.000000e+00 : f32
    %add3A_6 = vector.broadcast %add3A_5 : f32 to vector<10000xf32>
    %add3A_7 = arith.addf %add3A, %add3A_6 : vector<10000xf32>
    %max3A = arith.constant 1.000000e+00 : f32
    %max3A_8 = vector.broadcast %max3A : f32 to vector<10000xf32>
    %max3A_9 = arith.maximumf %add3A_7, %max3A_8 : vector<10000xf32>
    %rsqrt3A = math.rsqrt %max3A_9 : vector<10000xf32>
    %get3A_10 = arith.constant 0 : index
    %get3A_11 = arith.constant 0 : index
    %get3A_12 = arith.constant 0 : index
    %get3A_13 = vector.load %arg0[%get3A_10, %get3A_11, %get3A_12] : memref<2x10112x32xf32, #tpu.memory_space<vmem>>, vector<2x10112x32xf32>
    %get3A_14 = arith.constant 0 : index
    %get3A_15 = arith.constant 0 : index
    %get3A_16 = vector.load %arg1[%get3A_14, %get3A_15] : memref<10112x32xf32, #tpu.memory_space<vmem>>, vector<10112x32xf32>
    %slice3A_17 = vector.extract_strided_slice %get3A_16 {offsets = [0, 0], sizes = [10000, 32], strides = [1, 1]} : vector<10112x32xf32> to vector<10000x32xf32>
    %slice3A_18 = vector.extract_strided_slice %get3A_13 {offsets = [0, 0, 0], sizes = [1, 10000, 32], strides = [1, 1, 1]} : vector<2x10112x32xf32> to vector<1x10000x32xf32>
    %squeeze3A_19 = vector.shape_cast %slice3A_18 : vector<1x10000x32xf32> to vector<10000x32xf32>
    %slice3A_20 = vector.extract_strided_slice %get3A_13 {offsets = [1, 0, 0], sizes = [1, 10000, 32], strides = [1, 1, 1]} : vector<2x10112x32xf32> to vector<1x10000x32xf32>
    %squeeze3A_21 = vector.shape_cast %slice3A_20 : vector<1x10000x32xf32> to vector<10000x32xf32>
    %add3A_22 = arith.addf %squeeze3A_19, %squeeze3A_21 : vector<10000x32xf32>
    %add3A_23 = arith.addf %add3A_22, %slice3A_17 : vector<10000x32xf32>
    %broadcast_in_dim3A = vector.shape_cast %rsqrt3A : vector<10000xf32> to vector<10000x1xf32>
    %mul3A = vector.broadcast %broadcast_in_dim3A : vector<10000x1xf32> to vector<10000x32xf32>
    %mul3A_24 = arith.mulf %add3A_23, %mul3A : vector<10000x32xf32>
    %get3A_25 = arith.constant 0 : index
    %get3A_26 = vector.load %arg3[%get3A_25] : memref<32xf32, #tpu.memory_space<vmem>>, vector<32xf32>
    %broadcast_in_dim3A_27 = vector.shape_cast %get3A_26 : vector<32xf32> to vector<1x32xf32>
    %add3A_28 = vector.broadcast %broadcast_in_dim3A_27 : vector<1x32xf32> to vector<10000x32xf32>
    %add3A_29 = arith.addf %mul3A_24, %add3A_28 : vector<10000x32xf32>
    %max3A_30 = arith.constant 0.000000e+00 : f32
    %max3A_31 = vector.broadcast %max3A_30 : f32 to vector<10000x32xf32>
    %max3A_32 = arith.maximumf %add3A_29, %max3A_31 : vector<10000x32xf32>
    %get3A_33 = arith.constant 0 : index
    %get3A_34 = vector.load %arg4[%get3A_33] : memref<10000xi32, #tpu.memory_space<vmem>>, vector<10000xi32>
    %broadcast_in_dim3A_35 = vector.shape_cast %get3A_34 : vector<10000xi32> to vector<10000x1xi32>
    %iota3A = tpu.iota {dimensions = array<i32: 1>} : vector<1x16xi32>
    %eq3A = vector.broadcast %broadcast_in_dim3A_35 : vector<10000x1xi32> to vector<10000x16xi32>
    %eq3A_36 = vector.broadcast %iota3A : vector<1x16xi32> to vector<10000x16xi32>
    %eq3A_37 = arith.cmpi eq, %eq3A, %eq3A_36 : vector<10000x16xi32>
    %convert_element_type3A = arith.extui %eq3A_37 : vector<10000x16xi1> to vector<10000x16xi32>
    %convert_element_type3A_38 = arith.sitofp %convert_element_type3A : vector<10000x16xi32> to vector<10000x16xf32>
    %reduce_sum3A = arith.constant dense<0.000000e+00> : vector<16xf32>
    %reduce_sum3A_39 = vector.multi_reduction <add>, %convert_element_type3A_38, %reduce_sum3A [0] : vector<10000x16xf32> to vector<16xf32>
    %dot_general3A = arith.constant dense<0.000000e+00> : vector<16x32xf32>
    %dot_general3A_40 = tpu.matmul %convert_element_type3A_38, %max3A_32, %dot_general3A {dimension_numbers = #tpu.dot_dimension_numbers<[0], [0], [1], [1], [0, 1, 1, 1], [], []>, transpose_lhs_hint = false} : vector<10000x16xf32>, vector<10000x32xf32>, vector<16x32xf32> -> vector<16x32xf32>
    %max3A_41 = arith.constant 1.000000e+00 : f32
    %max3A_42 = vector.broadcast %max3A_41 : f32 to vector<16xf32>
    %max3A_43 = arith.maximumf %reduce_sum3A_39, %max3A_42 : vector<16xf32>
    %broadcast_in_dim3A_44 = vector.shape_cast %max3A_43 : vector<16xf32> to vector<16x1xf32>
    %div3A = vector.broadcast %broadcast_in_dim3A_44 : vector<16x1xf32> to vector<16x32xf32>
    %div3A_45 = arith.divf %dot_general3A_40, %div3A : vector<16x32xf32>
    %get3A_46 = arith.constant 0 : index
    %get3A_47 = arith.constant 0 : index
    %get3A_48 = vector.load %arg5[%get3A_46, %get3A_47] : memref<32x64xf32, #tpu.memory_space<vmem>>, vector<32x64xf32>
    %dot_general3A_49 = arith.constant dense<0.000000e+00> : vector<16x64xf32>
    %dot_general3A_50 = tpu.matmul %div3A_45, %get3A_48, %dot_general3A_49 {dimension_numbers = #tpu.dot_dimension_numbers<[1], [0], [0], [1], [0, 0, 1, 1], [], []>, transpose_lhs_hint = false} : vector<16x32xf32>, vector<32x64xf32>, vector<16x64xf32> -> vector<16x64xf32>
    %get3A_51 = arith.constant 0 : index
    %get3A_52 = vector.load %arg6[%get3A_51] : memref<64xf32, #tpu.memory_space<vmem>>, vector<64xf32>
    %broadcast_in_dim3A_53 = vector.shape_cast %get3A_52 : vector<64xf32> to vector<1x64xf32>
    %add3A_54 = vector.broadcast %broadcast_in_dim3A_53 : vector<1x64xf32> to vector<16x64xf32>
    %add3A_55 = arith.addf %dot_general3A_50, %add3A_54 : vector<16x64xf32>
    %swap3A = arith.constant 0 : index
    %swap3A_56 = arith.constant 0 : index
    %swap3A_57 = vector.load %arg7[%swap3A, %swap3A_56] : memref<16x64xf32, #tpu.memory_space<vmem>>, vector<16x64xf32>
    tpu.vector_store %arg7[%swap3A, %swap3A_56], %add3A_55 {strides = array<i32>} : memref<16x64xf32, #tpu.memory_space<vmem>>, vector<16x64xf32>,
    return
  }
}

</mosaic_0001>

<sc_bundles>
// kernel: kernel.11.cloned.1.call-start
scs
__scs_entry_jumppad:
0x0: {  	(pc) =	sbr.rel $0x88, $3  }
0x1: {  	(tag) =	ssettag $0x0;
	lr =	simm.s32 $0x1  }
0x2: {  	[smem:$0x3F98] =	sst lr;
	_ =	strace $0xD0000000  }
0x3: {  	_ = 	snop  }
0x4: {  	_ = 	snop  }
0x5: {  	_ = 	snop  }
0x6: {  	_ = 	snop  }
0x7: {  	_ = 	snop  }
__scs_overlays_trampoline_lowered:
0x8: {  	[smem:$0x3FA7] =	sst s0  }
0x9: {  	[smem:$0x3FA8] =	sst s1  }
0xa: {  	[smem:$0x3FA9] =	sst s2  }
0xb: {  	[smem:$0x3FAA] =	sst s3  }
0xc: {  	[smem:$0x3FAB] =	sst s4  }
0xd: {  	[smem:$0x3FAC] =	sst s5  }
0xe: {  	[smem:$0x3FAD] =	sst s6  }
0xf: {  	[smem:$0x3FAE] =	sst s7  }
0x10: {  	[smem:$0x3FAF] =	sst s8  }
0x11: {  	[smem:$0x3FB0] =	sst s9;
	s0 =	simm.s32 @!p0 $0x0  }
0x12: {  	s1 =	sld [smem:$0x3F96];
	s0 =	simm.s32 @p0 $0x1  }
0x13: {  	[smem:$0x3FB1] =	sst s0;
	s0 =	simm.s32 @!p1 $0x0  }
0x14: {  	s2 =	sld [smem:$0x3F95];
	s0 =	simm.s32 @p1 $0x1  }
0x15: {  	[smem:$0x3FB2] =	sst s0;
	s0 =	simm.s32 @!p2 $0x0  }
0x16: {  	s3 =	sld [smem:$0x3FDB];
	s0 =	simm.s32 @p2 $0x1  }
0x17: {  	s4 =	simm.s32 $0x1BF5;
	[smem:$0x3FB4] =	sst s0  }
0x18: {  	s0 =	sld [smem:$0x3F97];
	_ =	swait.ge [sflag:s4], $0x0  }
0x19: {  	s7 =	sld [smem:$0x3F98]  }
0x1a: {  	s8 =	sadd.s32 $0xFFFFE003, lr  }
0x1b: {  	s9 =	sadd.s32 $0xFFFFFEF7, lr;
	s5 =	simm.s32 $0xFFFFFFFF;
	p2 =	slt.u32 s8, $0xFFFFF086  }
0x1c: {  	p1 =	slt.u32 s9, $0xF7A;
	s5 =	simm.s32 @!p2 $0x0  }
0x1d: {  	s5 =	simm.s32 @p1 $0x1;
	p0 =	seq.s32 s7, s2  }
0x1e: {  	s7 =	smul.u32 @!p0 $0xF7A, s2;
	p2 =	seq.s32 @!p0 s5, $0x0  }
0x1f: {  	s9 =	smul.u32 $0xF7A, s1;
	s8 =	simm.s32 @!p0 $0x1BF5;
	p2 =	por !p2, p0  }
0x20: {  	[sflag:s8] =	ssyncset.s32 @!p0 $0xFFFFF086;
	s6 =	sadd.s32 @!p0 s3, s7;
	s7 =	simm.s32 @!p0 $0x108  }
0x21: {  	s3 =	sadd.s32 s3, s9;
	s6 =	sadd.s32 @!p0 $0x88, s6;
	s7 =	simm.s32 @p2 $0x1082  }
0x22: {  	[simem:s7], [sflag:s8] =	dma.local @!p0 [hbm:s6], $0xF7A  }
0x23: {  	s9 =	sor.u32 $0xD0000000, s2;
	s6 =	simm.s32 $0x108;
	_ =	swait.ge @!p0 [sflag:s8], $0x0  }
0x24: {  	s3 =	sadd.s32 $0x88, s3;
	s6 =	simm.s32 @!p1 $0x1082;
	[sflag:s4] =	ssyncset.s32 $0xFFFFF086  }
0x25: {  	[simem:s6], [sflag:s4] =	dma.local [hbm:s3], $0xF7A  }
0x26: {  	[smem:$0x3F98] =	sst s1;
	(tag) =	ssettag s2;
	_ =	strace s9  }
0x27: {  	s1 =	sld [smem:$0x3FA8]  }
0x28: {  	s2 =	sld [smem:$0x3FA9]  }
0x29: {  	s4 =	sld [smem:$0x3FAB]  }
0x2a: {  	p0 =	seq.s32 s5, $0x0;
	s5 =	sld [smem:$0x3FAC]  }
0x2b: {  	s6 =	sld [smem:$0x3FAD]  }
0x2c: {  	s7 =	sld [smem:$0x3FAE]  }
0x2d: {  	s3 =	simm.s32 $0x108;
	s8 =	sld [smem:$0x3FAF]  }
0x2e: {  	s3 =	simm.s32 @!p0 $0x1082;
	s9 =	sld [smem:$0x3FB0]  }
0x2f: {  	lr =	sadd.s32 s0, s3;
	s0 =	sld [smem:$0x3FA7]  }
0x30: {  	s3 =	sld [smem:$0x3FAA]  }
0x31: {  	[smem:$0x3FB3] =	sst s10  }
0x32: {  	s10 =	sld [smem:$0x3FB1];
	_ =	sdelay $0x3  }
0x33: {  	p0 =	seq.s32 s10, $0x1;
	s10 =	sld [smem:$0x3FB3];
	_ =	sdelay $0x3  }
0x34: {  	[smem:$0x3FB3] =	sst s10  }
0x35: {  	s10 =	sld [smem:$0x3FB2];
	_ =	sdelay $0x3  }
0x36: {  	p1 =	seq.s32 s10, $0x1;
	s10 =	sld [smem:$0x3FB3];
	_ =	sdelay $0x3  }
0x37: {  	[smem:$0x3FB3] =	sst s10  }
0x38: {  	s10 =	sld [smem:$0x3FB4]  }
0x39: {  	_ = 	snop;
	(pc) =	sbr.ind lr, $3  }
0x3a: {  	_ = 	snop  }
0x3b: {  	_ = 	snop  }
0x3c: {  	p2 =	seq.s32 s10, $0x1;
	s10 =	sld [smem:$0x3FB3]  }
0x3d: {  	_ =	shalt  }
0x3e: {  	_ =	shalt  }
0x3f: {  	_ =	shalt  }
0x40: {  	_ =	shalt  }
0x41: {  	_ =	shalt  }
0x42: {  	_ =	shalt  }
0x43: {  	_ =	shalt  }
0x44: {  	_ =	shalt  }
0x45: {  	_ =	shalt  }
0x46: {  	_ =	shalt  }
0x47: {  	_ =	shalt  }
0x48: {  	_ =	shalt  }
0x49: {  	_ =	shalt  }
0x4a: {  	_ =	shalt  }
0x4b: {  	_ =	shalt  }
0x4c: {  	_ =	shalt  }
0x4d: {  	_ =	shalt  }
0x4e: {  	_ =	shalt  }
0x4f: {  	_ =	shalt  }
0x50: {  	_ =	shalt  }
0x51: {  	_ =	shalt  }
0x52: {  	_ =	shalt  }
0x53: {  	_ =	shalt  }
0x54: {  	_ =	shalt  }
0x55: {  	_ =	shalt  }
0x56: {  	_ =	shalt  }
0x57: {  	_ =	shalt  }
0x58: {  	_ =	shalt  }
0x59: {  	_ =	shalt  }
0x5a: {  	_ =	shalt  }
0x5b: {  	_ =	shalt  }
0x5c: {  	_ =	shalt  }
0x5d: {  	_ =	shalt  }
0x5e: {  	_ =	shalt  }
0x5f: {  	_ =	shalt  }
0x60: {  	_ =	shalt  }
0x61: {  	_ =	shalt  }
0x62: {  	_ =	shalt  }
0x63: {  	_ =	shalt  }
0x64: {  	_ =	shalt  }
0x65: {  	_ =	shalt  }
0x66: {  	_ =	shalt  }
0x67: {  	_ =	shalt  }
0x68: {  	_ =	shalt  }
0x69: {  	_ =	shalt  }
0x6a: {  	_ =	shalt  }
0x6b: {  	_ =	shalt  }
0x6c: {  	_ =	shalt  }
0x6d: {  	_ =	shalt  }
0x6e: {  	_ =	shalt  }
0x6f: {  	_ =	shalt  }
0x70: {  	_ =	shalt  }
0x71: {  	_ =	shalt  }
0x72: {  	_ =	shalt  }
0x73: {  	_ =	shalt  }
0x74: {  	_ =	shalt  }
0x75: {  	_ =	shalt  }
0x76: {  	_ =	shalt  }
0x77: {  	_ =	shalt  }
0x78: {  	_ =	shalt  }
0x79: {  	_ =	shalt  }
0x7a: {  	_ =	shalt  }
0x7b: {  	_ =	shalt  }
0x7c: {  	_ =	shalt  }
0x7d: {  	_ =	shalt  }
0x7e: {  	_ =	shalt  }
0x7f: {  	_ =	shalt  }
0x80: {  	_ =	shalt  }
0x81: {  	_ =	shalt  }
0x82: {  	_ =	shalt  }
0x83: {  	_ =	shalt  }
0x84: {  	_ =	shalt  }
0x85: {  	_ =	shalt  }
0x86: {  	_ =	shalt  }
0x87: {  	_ =	shalt  }
.Lfunc_end0:
.L_simem_size_0:
called_computation.1_lowered:
.L_overlay_start_0:
0x88: {  	s2 =	sld [smem:$0x3FD9]  }
0x89: {  	s3 =	sld [smem:$0x3FFE];
	_ =	sdelay $0x1  }
0x8a: {  	s1 =	srdreg.scid  }
0x8b: {  	s0 =	sand.u32 $0x1, s1  }
0x8c: {  	s16 =	sshll.u32 s0, $0xA;
	s2 =	sadd.s32 s3, s2  }
0x8d: {  	s2 =	sadd.s32 s2, s16  }
0x8e: {  	[smem:$0x3FBF] =	sst s2  }
0x8f: {  	_ = 	snop  }
0x90: {  	(tm) =	ssettm $0x1  }
0x91: {  	s17 =	sld [smem:$0x3FFB];
	_ =	sdelay $0x3  }
0x92: {  	_ =	strace s17  }
0x93: {  	s2 =	sld [smem:$0x3FFC];
	_ =	sdelay $0x3  }
0x94: {  	_ =	strace s2  }
0x95: {  	s2 =	sld [smem:$0x3FFD];
	_ =	sdelay $0x3  }
0x96: {  	_ =	strace s2  }
0x97: {  	_ =	strace $0x8FFFFFFF  }
0x98: {  	s18 =	sld [smem:$0x3FDB];
	_ =	sdelay $0x1  }
0x99: {  	s19 =	simm.s32 $_scs_section_size  }
0x9a: {  	s4 =	simm.s32 $_size__tile_overlayer_lowered;
	s5 =	simm.s32 $_tile_overlayer_lowered  }
0x9b: {  	s22 =	simm.s32 $0x1BFF;
	s21 =	sshll.u32 s5, $0x1;
	s2 =	sadd.s32 s19, s18  }
0x9c: {  	s6 =	simm.s32 $0x0;
	s20 =	sshll.u32 s4, $0x1;
	s4 =	sadd.s32 s21, s2  }
0x9d: {  	[timem:s6], [sflag:s22] =	dma.local [hbm:s4], s20  }
0x9e: {  	_ =	swait.ge [sflag:s22], s20  }
0x9f: {  	s3 =	ssub.s32 $0x0, s20;
	[sflag:s22] =	ssyncset.done $0x0  }
0xa0: {  	[sflag:s22] =	ssyncadd.s32 s3;
	_ =	sdelay $0x1  }
0xa1: {  	s23 =	simm.s32 $0x1B8B  }
0xa2: {  	_ =	swait.ge [sflag:s23], $0x1  }
0xa3: {  	[sflag:s23] =	ssyncset.done $0x0  }
0xa4: {  	s25 =	simm.s32 $0x1B8E;
	s24 =	sld [smem:$0x3FFE];
	[sflag:s23] =	ssyncadd.s32 $0xFFFFFFFF  }
0xa5: {  	s26 =	simm.s32 $execute0_lowered;
	[smem:$0x3FD2] =	sst s25  }
0xa6: {  	s4 =	sshll.u32 s26, $0x1;
	_ =	strace $0x80000049;
	[dreg:$0x1] =	wrdreg $0xFFFFFFFF  }
0xa7: {  	s28 =	simm.s32 $_size_execute0_lowered;
	s2 =	sadd.s32 s2, s4;
	[dreg:$0x0] =	wrdreg $0x0  }
0xa8: {  	s4 =	sshll.u32 s28, $0x1;
	[dreg:$0x2] =	wrdreg s2  }
0xa9: {  	[dreg:$0x3] =	wrdreg s4  }
0xaa: {  	[dreg:$0x4] =	wrdreg $0xC0  }
0xab: {  	_ =	task [dreg:s6], $0x5FFFF  }
0xac: {  	[dreg:$0x1] =	wrdreg $0xFFFFFFFF  }
0xad: {  	[dreg:$0x0] =	wrdreg $0x60  }
0xae: {  	[dreg:$0x2] =	wrdreg s24  }
0xaf: {  	[dreg:$0x3] =	wrdreg $0xBE400  }
0xb0: {  	[dreg:$0x4] =	wrdreg $0x6F400  }
0xb1: {  	[dreg:$0x5] =	wrdreg $0x9  }
0xb2: {  	_ =	task.clear_ibuf [dreg:s6], $0x6FFFF;
	_ =	strace $0x90000049  }
0xb3: {  	s29 =	simm.s32 $0x9;
	_ =	strace $0x8000004B  }
0xb4: {  	_ =	swait.ge [sflag:s29], $0x1  }
0xb5: {  	[sflag:s29] =	ssyncadd.s32 $0xFFFFFFFF  }
0xb6: {  	_ =	strace $0x9000004B  }
0xb7: {  	_ =	sfence  }
0xb8: {  	s30 =	sld [smem:$0x0];
	_ =	sdelay $0x2  }
0xb9: {  	s31 =	sshll.u32 s1, $0xD;
	s1 =	sshrl.u32 s1, $0x2  }
0xba: {  	s3 =	sand.u32 $0x4000, s31;
	s1 =	sadd.s32 s1, s30  }
0xbb: {  	s0 =	sor.u32 s3, s0;
	s1 =	sshll.u32 s1, $0x11  }
0xbc: {  	s0 =	sor.u32 s1, s0  }
0xbd: {  	s0 =	sadd.s32 $0x8F2B, s0  }
0xbe: {  	[sflag:s0] =	ssyncadd.remote.s32 $0x1  }
0xbf: {  	_ =	sfence.sel $0xFFFF  }
0xc0: {  	[dreg:$0x0] =	wrdreg $0xFFFFFFFF;
	(pc) =	sbr.abs _section_cstart, $3  }
0xc1: {  	[dreg:$0x1] =	wrdreg $0xFFFFFFFF  }
0xc2: {  	_ =	task.clear_ibuf [dreg:s6], $0x2FFFF;
	_ =	strace $0x9FFFFFFF  }
0xc3: {  	(tm) =	ssettm $0x7FFFFFFF  }
tec
execute0_lowered:
.L_overlay_start_1:
0x0: {  	(tag) =	ssettag $0x1  }
0x1: {  	s6 =	rddreg [dreg:$0x0]  }
0x2: {  	s1 =	srdreg.scid;
	s2 =	rddreg [dreg:$0x1]  }
0x3: {  	s0 =	stileid.u32;
	s3 =	rddreg [dreg:$0x2]  }
0x4: {  	s4 =	simm.s32 $0x0;
	s12 =	simm.s32 $0x2800;
	s16 =	simm.s32 $0x7D  }
0x5: {  	s17 =	simm.s32 $0x5000;
	s18 =	simm.s32 $0x5FA0;
	s19 =	simm.s32 $0x1  }
0x6: {  	s20 =	simm.s32 $0x2;
	s21 =	simm.s32 $0x2780;
	s22 =	simm.s32 $0x4F00  }
0x7: {  	s23 =	simm.s32 $0x4F80;
	s24 =	simm.s32 $0x0;
	s5 =	sand.u32 $0x1, s1  }
0x8: {  	s30 =	sshll.u32 s0, $0x1;
	s8 =	smul.u32 $0x4F00, s0;
	[smem:$0x7FF] =	sst s4  }
0x9: {  	s13 =	sshll.u32 s0, $0x6;
	s1 =	sor.u32 s5, s30;
	s9 =	smul.u32 $0x4F000, s5  }
0xa: {  	s5 =	ssub.s32 $0x2, s5;
	s13 =	sor.u32 $0x1C03, s13;
	s7 =	smul.u32 $0x500, s1  }
0xb: {  	s1 =	rddreg [dreg:$0x3];
	_ =	strace $0x8000004A;
	s10 =	sshrl.u32 s8, $0x3  }
0xc: {  	s31 =	sshrl.u32 s5, $0x1;
	s14 =	sadd.s32 s8, s2;
	s15 =	sadd.s32 s8, s3  }
0xd: {  	s9 =	sadd.s32 s8, s9;
	s10 =	sadd.s32 s10, s6;
	s11 =	ssub.s32 s5, s31  }
0xe: {  	s14 =	sshrl.u32 s14, $0x3;
	s15 =	sshrl.u32 s15, $0x3;
	s9 =	sshrl.u32 s9, $0x3  }
0xf: {  	s7 =	sadd.s32 s7, s6;
	s8 =	sadd.s32 $0x9DE00, s10;
	s9 =	sadd.s32 s9, s6  }
0x10: {  	s5 =	sadd.s32 $0x13800, s7;
	s6 =	sadd.s32 $0x2000, s7;
	s7 =	sadd.s32 $0x94000, s10  }
0x11: {  	s10 =	smax.u32 s11, $0x1;
	s11 =	simm.s32 $0x3;
	s9 =	sadd.s32 $0xA7C00, s9  }
.LBB2_1:
0x12: {  	[tilespmem:s4], [sflag:$0x3] =	stream.linear.gather [hbm4b:s5+s4], $0x2800, $0x38;
	[tilespmem:$0x10D40] =	vst v63  }
0x13: {  	_ =	swait.ge [sflag:s11], $0x2800  }
0x14: {  	[sflag:s11] =	ssyncset.done $0x0  }
0x15: {  	[sflag:s11] =	ssyncadd.s32 $0xFFFFD800  }
0x16: {  	[tilespmem:s12], [sflag:$0x3] =	stream.linear.gather [hbm4b:s6+s4], $0x2800, $0x38;
	[tilespmem:$0x10D40] =	vst v63  }
0x17: {  	_ =	swait.ge [sflag:s11], $0x2800  }
0x18: {  	[sflag:s11] =	ssyncset.done $0x0  }
0x19: {  	[sflag:s11] =	ssyncadd.s32 $0xFFFFD800  }
0x1a: {  	[spmem:s14], [sflag:s13] =	dma.local [hbm:s7], $0x9E0  }
0x1b: {  	_ =	swait.ge [sflag:s11], $0x9E0  }
0x1c: {  	[sflag:s11] =	ssyncset.done $0x0  }
0x1d: {  	[sflag:s11] =	ssyncadd.s32 $0xFFFFF620  }
0x1e: {  	[spmem:s15], [sflag:s13] =	dma.local [hbm:s8], $0x9E0  }
0x1f: {  	_ =	swait.ge [sflag:s11], $0x9E0  }
0x20: {  	[sflag:s11] =	ssyncset.done $0x0  }
0x21: {  	[sflag:s11] =	ssyncadd.s32 $0xFFFFF620  }
0x22: {  	[bflag:$0x0] =	sbarrier.arrive $0xFFFF  }
0x23: {  	[tilespmem:s17], [sflag:$0x1] =	stream.indirect.gather [spmem:s2], $0x20, s4, s16, $0xb8;
	[tilespmem:$0x10D40] =	vst v63  }
0x24: {  	s25 =	simm.s32 $0x80  }
0x25: {  	[tilespmem:s18], [sflag:$0x2] =	stream.indirect.gather [spmem:s2], $0x20, s25, s16, $0xb8;
	[tilespmem:$0x10D40] =	vst v63  }
0x26: {  	_ =	swait.ge [sflag:s19], $0xFA0  }
0x27: {  	[sflag:s19] =	ssyncset.done $0x0  }
0x28: {  	s29 =	simm.s32 $0x2800;
	[sflag:s19] =	ssyncadd.s32 $0xFFFFF060  }
0x29: {  	[spmem:s3] =	stream.indirect.scatter.add.f32 [tilespmem:s17], [sflag:$0x3], $0x20, s29, s16, $0xb8;
	[tilespmem:$0x10D40] =	vst v63  }
0x2a: {  	_ =	swait.ge [sflag:s11], $0xFA0  }
0x2b: {  	[sflag:s11] =	ssyncset.done $0x0  }
0x2c: {  	s30 =	simm.s32 $0x100;
	[sflag:s11] =	ssyncadd.s32 $0xFFFFF060  }
0x2d: {  	[tilespmem:s17], [sflag:$0x1] =	stream.indirect.gather [spmem:s2], $0x20, s30, s16, $0xb8;
	[tilespmem:$0x10D40] =	vst v63  }
0x2e: {  	_ =	swait.ge [sflag:s20], $0xFA0  }
0x2f: {  	[sflag:s20] =	ssyncset.done $0x0  }
0x30: {  	s31 =	simm.s32 $0x2880;
	[sflag:s20] =	ssyncadd.s32 $0xFFFFF060  }
0x31: {  	[spmem:s3] =	stream.indirect.scatter.add.f32 [tilespmem:s18], [sflag:$0x3], $0x20, s31, s16, $0xb8;
	[tilespmem:$0x10D40] =	vst v63  }
0x32: {  	_ =	swait.ge [sflag:s11], $0xFA0  }
0x33: {  	s26 =	simm.s32 $0x800;
	s25 =	simm.s32 $0x100;
	[sflag:s11] =	ssyncset.done $0x0  }
.LBB2_2:
0x34: {  	s28 =	sadd.s32 $0x80, s25  }
0x35: {  	[sflag:s11] =	ssyncadd.s32 $0xFFFFF060;
	s29 =	smov.u32 s26;
	s30 =	sadd.s32 $0x400, s26  }
0x36: {  	[tilespmem:s18], [sflag:$0x2] =	stream.indirect.gather [spmem:s2], $0x20, s28, s16, $0xb8;
	[tilespmem:$0x10D40] =	vst v63  }
0x37: {  	p0 =	sne.s32 s26, $0x9800;
	_ =	swait.ge [sflag:s19], $0xFA0  }
0x38: {  	[sflag:s19] =	ssyncset.done $0x0  }
0x39: {  	s26 =	sadd.s32 $0x2800, s25;
	[sflag:s19] =	ssyncadd.s32 $0xFFFFF060  }
0x3a: {  	[spmem:s3] =	stream.indirect.scatter.add.f32 [tilespmem:s17], [sflag:$0x3], $0x20, s26, s16, $0xb8;
	[tilespmem:$0x10D40] =	vst v63  }
0x3b: {  	_ =	swait.ge [sflag:s11], $0xFA0  }
0x3c: {  	[sflag:s11] =	ssyncset.done $0x0  }
0x3d: {  	s26 =	sadd.s32 $0x100, s25;
	[sflag:s11] =	ssyncadd.s32 $0xFFFFF060  }
0x3e: {  	[tilespmem:s17], [sflag:$0x1] =	stream.indirect.gather [spmem:s2], $0x20, s26, s16, $0xb8;
	[tilespmem:$0x10D40] =	vst v63  }
0x3f: {  	_ =	swait.ge [sflag:s20], $0xFA0  }
.Ltmp0:
0x40: {  	[sflag:s20] =	ssyncset.done $0x0;
	(pc) =	sbr.rel @p0 .LBB2_2-.Ltmp0, $4  }
0x41: {  	s25 =	sadd.s32 $0x2880, s25;
	[sflag:s20] =	ssyncadd.s32 $0xFFFFF060  }
0x42: {  	[spmem:s3] =	stream.indirect.scatter.add.f32 [tilespmem:s18], [sflag:$0x3], $0x20, s25, s16, $0xb8;
	[tilespmem:$0x10D40] =	vst v63  }
0x43: {  	_ =	swait.ge [sflag:s11], $0xFA0  }
0x44: {  	s26 =	smov.u32 s30;
	s25 =	sshra.s32 s29, $0x2;
	[sflag:s11] =	ssyncset.done $0x0  }
0x45: {  	s26 =	sadd.s32 $0x80, s25;
	[sflag:s11] =	ssyncadd.s32 $0xFFFFF060  }
0x46: {  	[tilespmem:s18], [sflag:$0x2] =	stream.indirect.gather [spmem:s2], $0x20, s26, s16, $0xb8;
	[tilespmem:$0x10D40] =	vst v63  }
0x47: {  	_ =	swait.ge [sflag:s19], $0xFA0  }
0x48: {  	[sflag:s19] =	ssyncset.done $0x0  }
0x49: {  	s29 =	sadd.s32 $0x2800, s25;
	[sflag:s19] =	ssyncadd.s32 $0xFFFFF060  }
0x4a: {  	[spmem:s3] =	stream.indirect.scatter.add.f32 [tilespmem:s17], [sflag:$0x3], $0x20, s29, s16, $0xb8;
	[tilespmem:$0x10D40] =	vst v63  }
0x4b: {  	_ =	swait.ge [sflag:s11], $0xFA0  }
0x4c: {  	[sflag:s11] =	ssyncset.done $0x0  }
0x4d: {  	s30 =	sadd.s32 $0x100, s25;
	[sflag:s11] =	ssyncadd.s32 $0xFFFFF060  }
0x4e: {  	[tilespmem:s17], [sflag:$0x1] =	stream.indirect.gather [spmem:s2], $0x20, s30, s16, $0xb8;
	[tilespmem:$0x10D40] =	vst v63  }
0x4f: {  	_ =	swait.ge [sflag:s20], $0xFA0  }
0x50: {  	[sflag:s20] =	ssyncset.done $0x0  }
0x51: {  	s31 =	sadd.s32 $0x2880, s25;
	[sflag:s20] =	ssyncadd.s32 $0xFFFFF060  }
0x52: {  	[spmem:s3] =	stream.indirect.scatter.add.f32 [tilespmem:s18], [sflag:$0x3], $0x20, s31, s16, $0xb8;
	[tilespmem:$0x10D40] =	vst v63  }
0x53: {  	_ =	swait.ge [sflag:s11], $0xFA0  }
0x54: {  	[sflag:s11] =	ssyncset.done $0x0  }
0x55: {  	[sflag:s11] =	ssyncadd.s32 $0xFFFFF060  }
0x56: {  	[tilespmem:s18], [sflag:$0x2] =	stream.indirect.gather [spmem:s2], $0x20, s21, s16, $0xb8;
	[tilespmem:$0x10D40] =	vst v63  }
0x57: {  	_ =	swait.ge [sflag:s19], $0xFA0  }
0x58: {  	[sflag:s19] =	ssyncset.done $0x0  }
0x59: {  	[sflag:s19] =	ssyncadd.s32 $0xFFFFF060  }
0x5a: {  	[spmem:s3] =	stream.indirect.scatter.add.f32 [tilespmem:s17], [sflag:$0x3], $0x20, s22, s16, $0xb8;
	[tilespmem:$0x10D40] =	vst v63  }
0x5b: {  	_ =	swait.ge [sflag:s11], $0xFA0  }
0x5c: {  	[sflag:s11] =	ssyncset.done $0x0  }
0x5d: {  	[sflag:s11] =	ssyncadd.s32 $0xFFFFF060  }
0x5e: {  	_ =	swait.ge [sflag:s20], $0xFA0  }
0x5f: {  	[sflag:s20] =	ssyncset.done $0x0  }
0x60: {  	[sflag:s20] =	ssyncadd.s32 $0xFFFFF060  }
0x61: {  	[spmem:s3] =	stream.indirect.scatter.add.f32 [tilespmem:s18], [sflag:$0x3], $0x20, s23, s16, $0xb8;
	[tilespmem:$0x10D40] =	vst v63  }
0x62: {  	_ =	swait.ge [sflag:s11], $0xFA0  }
0x63: {  	s24 =	sadd.s32 $0x1, s24;
	[sflag:s11] =	ssyncset.done $0x0  }
0x64: {  	p0 =	sne.s32 s24, s10;
	[sflag:s11] =	ssyncadd.s32 $0xFFFFF060  }
.Ltmp1:
0x65: {  	[bflag:$0x0] =	sbarrier.arrive $0xFFFF;
	(pc) =	sbr.rel @p0 .LBB2_1-.Ltmp1, $4  }
0x66: {  	[hbm:s9], [sflag:s13] =	dma.local [spmem:s15], $0x9E0  }
0x67: {  	_ =	swait.ge [sflag:s11], $0x9E0  }
0x68: {  	[sflag:s11] =	ssyncset.done $0x0  }
0x69: {  	[sflag:s11] =	ssyncadd.s32 $0xFFFFF620  }
0x6a: {  	_ =	sfence.sel $0x180000  }
0x6b: {  	[bflag:$0x0] =	sbarrier.arrive $0xFFFF  }
0x6c: {  	p0 =	sne.s32 s0, $0x0;
	_ =	strace $0x9000004A  }
0x6d: {  	s0 =	sadd.s32 @!p0 $0x100000, s1;
	[bflag:$0x2] =	sbarrier.arrive $0xFFFF  }
0x6e: {  	[sflag:s0] =	ssyncadd.tile.s32 @!p0 $0x1;
	_ =	shalt  }
.Lfunc_end2:
_tile_overlayer_lowered:
.L_overlay_start_2:
0x6f: {  	(tag) =	ssettag $0x2  }
0x70: {  	s0 =	rddreg [dreg:$0x0];
	s2 =	stileid.u32  }
0x71: {  	s1 =	rddreg [dreg:$0x1];
	p0 =	sne.s32 s2, $0x0  }
0x72: {  	s3 =	rddreg [dreg:$0x2];
	[bflag:$0x3] =	sbarrier.arrive $0xFFFF;
	s2 =	simm.s32 @!p0 $0x1C03  }
0x73: {  	[timem:s3], [sflag:s2] =	dma.local @!p0 [hbm:s0], s1  }
0x74: {  	s0 =	simm.s32 @!p0 $0x3  }
0x75: {  	_ =	swait.ge @!p0 [sflag:s0], s1  }
0x76: {  	s1 =	ssub.s32 @!p0 $0x0, s1;
	[sflag:s0] =	ssyncset.done @!p0 $0x0  }
0x77: {  	[sflag:s0] =	ssyncadd.s32 @!p0 s1  }
0x78: {  	[bflag:$0x3] =	sbarrier.arrive $0xFFFF  }
0x79: {  	_ =	shalt  }

// kernel: kernel.14.cloned.1.call-start
scs
__scs_entry_jumppad:
0x0: {  	(pc) =	sbr.rel $0x88, $3  }
0x1: {  	(tag) =	ssettag $0x0;
	lr =	simm.s32 $0x1  }
0x2: {  	[smem:$0x3F98] =	sst lr;
	_ =	strace $0xD0000000  }
0x3: {  	_ = 	snop  }
0x4: {  	_ = 	snop  }
0x5: {  	_ = 	snop  }
0x6: {  	_ = 	snop  }
0x7: {  	_ = 	snop  }
__scs_overlays_trampoline_lowered:
0x8: {  	[smem:$0x3FA7] =	sst s0  }
0x9: {  	[smem:$0x3FA8] =	sst s1  }
0xa: {  	[smem:$0x3FA9] =	sst s2  }
0xb: {  	[smem:$0x3FAA] =	sst s3  }
0xc: {  	[smem:$0x3FAB] =	sst s4  }
0xd: {  	[smem:$0x3FAC] =	sst s5  }
0xe: {  	[smem:$0x3FAD] =	sst s6  }
0xf: {  	[smem:$0x3FAE] =	sst s7  }
0x10: {  	[smem:$0x3FAF] =	sst s8  }
0x11: {  	[smem:$0x3FB0] =	sst s9;
	s0 =	simm.s32 @!p0 $0x0  }
0x12: {  	s1 =	sld [smem:$0x3F96];
	s0 =	simm.s32 @p0 $0x1  }
0x13: {  	[smem:$0x3FB1] =	sst s0;
	s0 =	simm.s32 @!p1 $0x0  }
0x14: {  	s2 =	sld [smem:$0x3F95];
	s0 =	simm.s32 @p1 $0x1  }
0x15: {  	[smem:$0x3FB2] =	sst s0;
	s0 =	simm.s32 @!p2 $0x0  }
0x16: {  	s3 =	sld [smem:$0x3FDB];
	s0 =	simm.s32 @p2 $0x1  }
0x17: {  	s4 =	simm.s32 $0x1BF5;
	[smem:$0x3FB4] =	sst s0  }
0x18: {  	s0 =	sld [smem:$0x3F97];
	_ =	swait.ge [sflag:s4], $0x0  }
0x19: {  	s7 =	sld [smem:$0x3F98]  }
0x1a: {  	s8 =	sadd.s32 $0xFFFFE003, lr  }
0x1b: {  	s9 =	sadd.s32 $0xFFFFFEF7, lr;
	s5 =	simm.s32 $0xFFFFFFFF;
	p2 =	slt.u32 s8, $0xFFFFF086  }
0x1c: {  	p1 =	slt.u32 s9, $0xF7A;
	s5 =	simm.s32 @!p2 $0x0  }
0x1d: {  	s5 =	simm.s32 @p1 $0x1;
	p0 =	seq.s32 s7, s2  }
0x1e: {  	s7 =	smul.u32 @!p0 $0xF7A, s2;
	p2 =	seq.s32 @!p0 s5, $0x0  }
0x1f: {  	s9 =	smul.u32 $0xF7A, s1;
	s8 =	simm.s32 @!p0 $0x1BF5;
	p2 =	por !p2, p0  }
0x20: {  	[sflag:s8] =	ssyncset.s32 @!p0 $0xFFFFF086;
	s6 =	sadd.s32 @!p0 s3, s7;
	s7 =	simm.s32 @!p0 $0x108  }
0x21: {  	s3 =	sadd.s32 s3, s9;
	s6 =	sadd.s32 @!p0 $0x88, s6;
	s7 =	simm.s32 @p2 $0x1082  }
0x22: {  	[simem:s7], [sflag:s8] =	dma.local @!p0 [hbm:s6], $0xF7A  }
0x23: {  	s9 =	sor.u32 $0xD0000000, s2;
	s6 =	simm.s32 $0x108;
	_ =	swait.ge @!p0 [sflag:s8], $0x0  }
0x24: {  	s3 =	sadd.s32 $0x88, s3;
	s6 =	simm.s32 @!p1 $0x1082;
	[sflag:s4] =	ssyncset.s32 $0xFFFFF086  }
0x25: {  	[simem:s6], [sflag:s4] =	dma.local [hbm:s3], $0xF7A  }
0x26: {  	[smem:$0x3F98] =	sst s1;
	(tag) =	ssettag s2;
	_ =	strace s9  }
0x27: {  	s1 =	sld [smem:$0x3FA8]  }
0x28: {  	s2 =	sld [smem:$0x3FA9]  }
0x29: {  	s4 =	sld [smem:$0x3FAB]  }
0x2a: {  	p0 =	seq.s32 s5, $0x0;
	s5 =	sld [smem:$0x3FAC]  }
0x2b: {  	s6 =	sld [smem:$0x3FAD]  }
0x2c: {  	s7 =	sld [smem:$0x3FAE]  }
0x2d: {  	s3 =	simm.s32 $0x108;
	s8 =	sld [smem:$0x3FAF]  }
0x2e: {  	s3 =	simm.s32 @!p0 $0x1082;
	s9 =	sld [smem:$0x3FB0]  }
0x2f: {  	lr =	sadd.s32 s0, s3;
	s0 =	sld [smem:$0x3FA7]  }
0x30: {  	s3 =	sld [smem:$0x3FAA]  }
0x31: {  	[smem:$0x3FB3] =	sst s10  }
0x32: {  	s10 =	sld [smem:$0x3FB1];
	_ =	sdelay $0x3  }
0x33: {  	p0 =	seq.s32 s10, $0x1;
	s10 =	sld [smem:$0x3FB3];
	_ =	sdelay $0x3  }
0x34: {  	[smem:$0x3FB3] =	sst s10  }
0x35: {  	s10 =	sld [smem:$0x3FB2];
	_ =	sdelay $0x3  }
0x36: {  	p1 =	seq.s32 s10, $0x1;
	s10 =	sld [smem:$0x3FB3];
	_ =	sdelay $0x3  }
0x37: {  	[smem:$0x3FB3] =	sst s10  }
0x38: {  	s10 =	sld [smem:$0x3FB4]  }
0x39: {  	_ = 	snop;
	(pc) =	sbr.ind lr, $3  }
0x3a: {  	_ = 	snop  }
0x3b: {  	_ = 	snop  }
0x3c: {  	p2 =	seq.s32 s10, $0x1;
	s10 =	sld [smem:$0x3FB3]  }
0x3d: {  	_ =	shalt  }
0x3e: {  	_ =	shalt  }
0x3f: {  	_ =	shalt  }
0x40: {  	_ =	shalt  }
0x41: {  	_ =	shalt  }
0x42: {  	_ =	shalt  }
0x43: {  	_ =	shalt  }
0x44: {  	_ =	shalt  }
0x45: {  	_ =	shalt  }
0x46: {  	_ =	shalt  }
0x47: {  	_ =	shalt  }
0x48: {  	_ =	shalt  }
0x49: {  	_ =	shalt  }
0x4a: {  	_ =	shalt  }
0x4b: {  	_ =	shalt  }
0x4c: {  	_ =	shalt  }
0x4d: {  	_ =	shalt  }
0x4e: {  	_ =	shalt  }
0x4f: {  	_ =	shalt  }
0x50: {  	_ =	shalt  }
0x51: {  	_ =	shalt  }
0x52: {  	_ =	shalt  }
0x53: {  	_ =	shalt  }
0x54: {  	_ =	shalt  }
0x55: {  	_ =	shalt  }
0x56: {  	_ =	shalt  }
0x57: {  	_ =	shalt  }
0x58: {  	_ =	shalt  }
0x59: {  	_ =	shalt  }
0x5a: {  	_ =	shalt  }
0x5b: {  	_ =	shalt  }
0x5c: {  	_ =	shalt  }
0x5d: {  	_ =	shalt  }
0x5e: {  	_ =	shalt  }
0x5f: {  	_ =	shalt  }
0x60: {  	_ =	shalt  }
0x61: {  	_ =	shalt  }
0x62: {  	_ =	shalt  }
0x63: {  	_ =	shalt  }
0x64: {  	_ =	shalt  }
0x65: {  	_ =	shalt  }
0x66: {  	_ =	shalt  }
0x67: {  	_ =	shalt  }
0x68: {  	_ =	shalt  }
0x69: {  	_ =	shalt  }
0x6a: {  	_ =	shalt  }
0x6b: {  	_ =	shalt  }
0x6c: {  	_ =	shalt  }
0x6d: {  	_ =	shalt  }
0x6e: {  	_ =	shalt  }
0x6f: {  	_ =	shalt  }
0x70: {  	_ =	shalt  }
0x71: {  	_ =	shalt  }
0x72: {  	_ =	shalt  }
0x73: {  	_ =	shalt  }
0x74: {  	_ =	shalt  }
0x75: {  	_ =	shalt  }
0x76: {  	_ =	shalt  }
0x77: {  	_ =	shalt  }
0x78: {  	_ =	shalt  }
0x79: {  	_ =	shalt  }
0x7a: {  	_ =	shalt  }
0x7b: {  	_ =	shalt  }
0x7c: {  	_ =	shalt  }
0x7d: {  	_ =	shalt  }
0x7e: {  	_ =	shalt  }
0x7f: {  	_ =	shalt  }
0x80: {  	_ =	shalt  }
0x81: {  	_ =	shalt  }
0x82: {  	_ =	shalt  }
0x83: {  	_ =	shalt  }
0x84: {  	_ =	shalt  }
0x85: {  	_ =	shalt  }
0x86: {  	_ =	shalt  }
0x87: {  	_ =	shalt  }
.Lfunc_end0:
.L_simem_size_0:
called_computation.2_lowered:
.L_overlay_start_0:
0x88: {  	s2 =	sld [smem:$0x3FD9]  }
0x89: {  	s3 =	sld [smem:$0x3FFE];
	_ =	sdelay $0x1  }
0x8a: {  	s1 =	srdreg.scid  }
0x8b: {  	s0 =	sand.u32 $0x1, s1  }
0x8c: {  	s16 =	sshll.u32 s0, $0xA;
	s2 =	sadd.s32 s3, s2  }
0x8d: {  	s2 =	sadd.s32 s2, s16  }
0x8e: {  	[smem:$0x3FBF] =	sst s2  }
0x8f: {  	_ = 	snop  }
0x90: {  	(tm) =	ssettm $0x1  }
0x91: {  	s17 =	sld [smem:$0x3FFB];
	_ =	sdelay $0x3  }
0x92: {  	_ =	strace s17  }
0x93: {  	s2 =	sld [smem:$0x3FFC];
	_ =	sdelay $0x3  }
0x94: {  	_ =	strace s2  }
0x95: {  	s2 =	sld [smem:$0x3FFD];
	_ =	sdelay $0x3  }
0x96: {  	_ =	strace s2  }
0x97: {  	_ =	strace $0x8FFFFFFF  }
0x98: {  	s18 =	sld [smem:$0x3FDB];
	_ =	sdelay $0x1  }
0x99: {  	s19 =	simm.s32 $_scs_section_size  }
0x9a: {  	s4 =	simm.s32 $_size__tile_overlayer_lowered;
	s5 =	simm.s32 $_tile_overlayer_lowered  }
0x9b: {  	s22 =	simm.s32 $0x1BFF;
	s21 =	sshll.u32 s5, $0x1;
	s2 =	sadd.s32 s19, s18  }
0x9c: {  	s6 =	simm.s32 $0x0;
	s20 =	sshll.u32 s4, $0x1;
	s4 =	sadd.s32 s21, s2  }
0x9d: {  	[timem:s6], [sflag:s22] =	dma.local [hbm:s4], s20  }
0x9e: {  	_ =	swait.ge [sflag:s22], s20  }
0x9f: {  	s3 =	ssub.s32 $0x0, s20;
	[sflag:s22] =	ssyncset.done $0x0  }
0xa0: {  	[sflag:s22] =	ssyncadd.s32 s3;
	_ =	sdelay $0x1  }
0xa1: {  	s23 =	simm.s32 $0x1B8B  }
0xa2: {  	_ =	swait.ge [sflag:s23], $0x1  }
0xa3: {  	[sflag:s23] =	ssyncset.done $0x0  }
0xa4: {  	s25 =	simm.s32 $0x1B8E;
	s24 =	sld [smem:$0x3FFE];
	[sflag:s23] =	ssyncadd.s32 $0xFFFFFFFF  }
0xa5: {  	s26 =	simm.s32 $execute0_lowered;
	[smem:$0x3FD2] =	sst s25  }
0xa6: {  	s4 =	sshll.u32 s26, $0x1;
	_ =	strace $0x8000004C;
	[dreg:$0x1] =	wrdreg $0xFFFFFFFF  }
0xa7: {  	s28 =	simm.s32 $_size_execute0_lowered;
	s2 =	sadd.s32 s2, s4;
	[dreg:$0x0] =	wrdreg $0x0  }
0xa8: {  	s4 =	sshll.u32 s28, $0x1;
	[dreg:$0x2] =	wrdreg s2  }
0xa9: {  	[dreg:$0x3] =	wrdreg s4  }
0xaa: {  	[dreg:$0x4] =	wrdreg $0xC0  }
0xab: {  	_ =	task [dreg:s6], $0x5FFFF  }
0xac: {  	[dreg:$0x1] =	wrdreg $0xFFFFFFFF  }
0xad: {  	[dreg:$0x0] =	wrdreg $0x60  }
0xae: {  	[dreg:$0x2] =	wrdreg s24  }
0xaf: {  	[dreg:$0x3] =	wrdreg $0xBE400  }
0xb0: {  	[dreg:$0x4] =	wrdreg $0x6F400  }
0xb1: {  	[dreg:$0x5] =	wrdreg $0x9  }
0xb2: {  	_ =	task.clear_ibuf [dreg:s6], $0x6FFFF;
	_ =	strace $0x9000004C  }
0xb3: {  	s29 =	simm.s32 $0x9;
	_ =	strace $0x8000004E  }
0xb4: {  	_ =	swait.ge [sflag:s29], $0x1  }
0xb5: {  	[sflag:s29] =	ssyncadd.s32 $0xFFFFFFFF  }
0xb6: {  	_ =	strace $0x9000004E  }
0xb7: {  	_ =	sfence  }
0xb8: {  	s30 =	sld [smem:$0x0];
	_ =	sdelay $0x2  }
0xb9: {  	s31 =	sshll.u32 s1, $0xD;
	s1 =	sshrl.u32 s1, $0x2  }
0xba: {  	s3 =	sand.u32 $0x4000, s31;
	s1 =	sadd.s32 s1, s30  }
0xbb: {  	s0 =	sor.u32 s3, s0;
	s1 =	sshll.u32 s1, $0x11  }
0xbc: {  	s0 =	sor.u32 s1, s0  }
0xbd: {  	s0 =	sadd.s32 $0x8F2B, s0  }
0xbe: {  	[sflag:s0] =	ssyncadd.remote.s32 $0x1  }
0xbf: {  	_ =	sfence.sel $0xFFFF  }
0xc0: {  	[dreg:$0x0] =	wrdreg $0xFFFFFFFF;
	(pc) =	sbr.abs _section_cstart, $3  }
0xc1: {  	[dreg:$0x1] =	wrdreg $0xFFFFFFFF  }
0xc2: {  	_ =	task.clear_ibuf [dreg:s6], $0x2FFFF;
	_ =	strace $0x9FFFFFFF  }
0xc3: {  	(tm) =	ssettm $0x7FFFFFFF  }
tec
execute0_lowered:
.L_overlay_start_1:
0x0: {  	(tag) =	ssettag $0x1  }
0x1: {  	s6 =	rddreg [dreg:$0x0]  }
0x2: {  	s1 =	srdreg.scid;
	s2 =	rddreg [dreg:$0x1]  }
0x3: {  	s0 =	stileid.u32;
	s3 =	rddreg [dreg:$0x2]  }
0x4: {  	s4 =	simm.s32 $0x0;
	s12 =	simm.s32 $0x2800;
	s16 =	simm.s32 $0x7D  }
0x5: {  	s17 =	simm.s32 $0x5000;
	s18 =	simm.s32 $0x5FA0;
	s19 =	simm.s32 $0x1  }
0x6: {  	s20 =	simm.s32 $0x2;
	s21 =	simm.s32 $0x2780;
	s22 =	simm.s32 $0x4F00  }
0x7: {  	s23 =	simm.s32 $0x4F80;
	s24 =	simm.s32 $0x0;
	s5 =	sand.u32 $0x1, s1  }
0x8: {  	s30 =	sshll.u32 s0, $0x1;
	s8 =	smul.u32 $0x4F00, s0;
	[smem:$0x7FF] =	sst s4  }
0x9: {  	s13 =	sshll.u32 s0, $0x6;
	s1 =	sor.u32 s5, s30;
	s9 =	smul.u32 $0x4F000, s5  }
0xa: {  	s5 =	ssub.s32 $0x2, s5;
	s13 =	sor.u32 $0x1C03, s13;
	s7 =	smul.u32 $0x500, s1  }
0xb: {  	s1 =	rddreg [dreg:$0x3];
	_ =	strace $0x8000004D;
	s10 =	sshrl.u32 s8, $0x3  }
0xc: {  	s31 =	sshrl.u32 s5, $0x1;
	s14 =	sadd.s32 s8, s2;
	s15 =	sadd.s32 s8, s3  }
0xd: {  	s9 =	sadd.s32 s8, s9;
	s10 =	sadd.s32 s10, s6;
	s11 =	ssub.s32 s5, s31  }
0xe: {  	s14 =	sshrl.u32 s14, $0x3;
	s15 =	sshrl.u32 s15, $0x3;
	s9 =	sshrl.u32 s9, $0x3  }
0xf: {  	s7 =	sadd.s32 s7, s6;
	s8 =	sadd.s32 $0x9DE00, s10;
	s9 =	sadd.s32 s9, s6  }
0x10: {  	s5 =	sadd.s32 $0x13800, s7;
	s6 =	sadd.s32 $0x2000, s7;
	s7 =	sadd.s32 $0x6C800, s10  }
0x11: {  	s10 =	smax.u32 s11, $0x1;
	s11 =	simm.s32 $0x3;
	s9 =	sadd.s32 $0x76600, s9  }
.LBB2_1:
0x12: {  	[tilespmem:s4], [sflag:$0x3] =	stream.linear.gather [hbm4b:s5+s4], $0x2800, $0x38;
	[tilespmem:$0x10D40] =	vst v63  }
0x13: {  	_ =	swait.ge [sflag:s11], $0x2800  }
0x14: {  	[sflag:s11] =	ssyncset.done $0x0  }
0x15: {  	[sflag:s11] =	ssyncadd.s32 $0xFFFFD800  }
0x16: {  	[tilespmem:s12], [sflag:$0x3] =	stream.linear.gather [hbm4b:s6+s4], $0x2800, $0x38;
	[tilespmem:$0x10D40] =	vst v63  }
0x17: {  	_ =	swait.ge [sflag:s11], $0x2800  }
0x18: {  	[sflag:s11] =	ssyncset.done $0x0  }
0x19: {  	[sflag:s11] =	ssyncadd.s32 $0xFFFFD800  }
0x1a: {  	[spmem:s14], [sflag:s13] =	dma.local [hbm:s7], $0x9E0  }
0x1b: {  	_ =	swait.ge [sflag:s11], $0x9E0  }
0x1c: {  	[sflag:s11] =	ssyncset.done $0x0  }
0x1d: {  	[sflag:s11] =	ssyncadd.s32 $0xFFFFF620  }
0x1e: {  	[spmem:s15], [sflag:s13] =	dma.local [hbm:s8], $0x9E0  }
0x1f: {  	_ =	swait.ge [sflag:s11], $0x9E0  }
0x20: {  	[sflag:s11] =	ssyncset.done $0x0  }
0x21: {  	[sflag:s11] =	ssyncadd.s32 $0xFFFFF620  }
0x22: {  	[bflag:$0x0] =	sbarrier.arrive $0xFFFF  }
0x23: {  	[tilespmem:s17], [sflag:$0x1] =	stream.indirect.gather [spmem:s2], $0x20, s4, s16, $0xb8;
	[tilespmem:$0x10D40] =	vst v63  }
0x24: {  	s25 =	simm.s32 $0x80  }
0x25: {  	[tilespmem:s18], [sflag:$0x2] =	stream.indirect.gather [spmem:s2], $0x20, s25, s16, $0xb8;
	[tilespmem:$0x10D40] =	vst v63  }
0x26: {  	_ =	swait.ge [sflag:s19], $0xFA0  }
0x27: {  	[sflag:s19] =	ssyncset.done $0x0  }
0x28: {  	s29 =	simm.s32 $0x2800;
	[sflag:s19] =	ssyncadd.s32 $0xFFFFF060  }
0x29: {  	[spmem:s3] =	stream.indirect.scatter.add.f32 [tilespmem:s17], [sflag:$0x3], $0x20, s29, s16, $0xb8;
	[tilespmem:$0x10D40] =	vst v63  }
0x2a: {  	_ =	swait.ge [sflag:s11], $0xFA0  }
0x2b: {  	[sflag:s11] =	ssyncset.done $0x0  }
0x2c: {  	s30 =	simm.s32 $0x100;
	[sflag:s11] =	ssyncadd.s32 $0xFFFFF060  }
0x2d: {  	[tilespmem:s17], [sflag:$0x1] =	stream.indirect.gather [spmem:s2], $0x20, s30, s16, $0xb8;
	[tilespmem:$0x10D40] =	vst v63  }
0x2e: {  	_ =	swait.ge [sflag:s20], $0xFA0  }
0x2f: {  	[sflag:s20] =	ssyncset.done $0x0  }
0x30: {  	s31 =	simm.s32 $0x2880;
	[sflag:s20] =	ssyncadd.s32 $0xFFFFF060  }
0x31: {  	[spmem:s3] =	stream.indirect.scatter.add.f32 [tilespmem:s18], [sflag:$0x3], $0x20, s31, s16, $0xb8;
	[tilespmem:$0x10D40] =	vst v63  }
0x32: {  	_ =	swait.ge [sflag:s11], $0xFA0  }
0x33: {  	s26 =	simm.s32 $0x800;
	s25 =	simm.s32 $0x100;
	[sflag:s11] =	ssyncset.done $0x0  }
.LBB2_2:
0x34: {  	s28 =	sadd.s32 $0x80, s25  }
0x35: {  	[sflag:s11] =	ssyncadd.s32 $0xFFFFF060;
	s29 =	smov.u32 s26;
	s30 =	sadd.s32 $0x400, s26  }
0x36: {  	[tilespmem:s18], [sflag:$0x2] =	stream.indirect.gather [spmem:s2], $0x20, s28, s16, $0xb8;
	[tilespmem:$0x10D40] =	vst v63  }
0x37: {  	p0 =	sne.s32 s26, $0x9800;
	_ =	swait.ge [sflag:s19], $0xFA0  }
0x38: {  	[sflag:s19] =	ssyncset.done $0x0  }
0x39: {  	s26 =	sadd.s32 $0x2800, s25;
	[sflag:s19] =	ssyncadd.s32 $0xFFFFF060  }
0x3a: {  	[spmem:s3] =	stream.indirect.scatter.add.f32 [tilespmem:s17], [sflag:$0x3], $0x20, s26, s16, $0xb8;
	[tilespmem:$0x10D40] =	vst v63  }
0x3b: {  	_ =	swait.ge [sflag:s11], $0xFA0  }
0x3c: {  	[sflag:s11] =	ssyncset.done $0x0  }
0x3d: {  	s26 =	sadd.s32 $0x100, s25;
	[sflag:s11] =	ssyncadd.s32 $0xFFFFF060  }
0x3e: {  	[tilespmem:s17], [sflag:$0x1] =	stream.indirect.gather [spmem:s2], $0x20, s26, s16, $0xb8;
	[tilespmem:$0x10D40] =	vst v63  }
0x3f: {  	_ =	swait.ge [sflag:s20], $0xFA0  }
.Ltmp0:
0x40: {  	[sflag:s20] =	ssyncset.done $0x0;
	(pc) =	sbr.rel @p0 .LBB2_2-.Ltmp0, $4  }
0x41: {  	s25 =	sadd.s32 $0x2880, s25;
	[sflag:s20] =	ssyncadd.s32 $0xFFFFF060  }
0x42: {  	[spmem:s3] =	stream.indirect.scatter.add.f32 [tilespmem:s18], [sflag:$0x3], $0x20, s25, s16, $0xb8;
	[tilespmem:$0x10D40] =	vst v63  }
0x43: {  	_ =	swait.ge [sflag:s11], $0xFA0  }
0x44: {  	s26 =	smov.u32 s30;
	s25 =	sshra.s32 s29, $0x2;
	[sflag:s11] =	ssyncset.done $0x0  }
0x45: {  	s26 =	sadd.s32 $0x80, s25;
	[sflag:s11] =	ssyncadd.s32 $0xFFFFF060  }
0x46: {  	[tilespmem:s18], [sflag:$0x2] =	stream.indirect.gather [spmem:s2], $0x20, s26, s16, $0xb8;
	[tilespmem:$0x10D40] =	vst v63  }
0x47: {  	_ =	swait.ge [sflag:s19], $0xFA0  }
0x48: {  	[sflag:s19] =	ssyncset.done $0x0  }
0x49: {  	s29 =	sadd.s32 $0x2800, s25;
	[sflag:s19] =	ssyncadd.s32 $0xFFFFF060  }
0x4a: {  	[spmem:s3] =	stream.indirect.scatter.add.f32 [tilespmem:s17], [sflag:$0x3], $0x20, s29, s16, $0xb8;
	[tilespmem:$0x10D40] =	vst v63  }
0x4b: {  	_ =	swait.ge [sflag:s11], $0xFA0  }
0x4c: {  	[sflag:s11] =	ssyncset.done $0x0  }
0x4d: {  	s30 =	sadd.s32 $0x100, s25;
	[sflag:s11] =	ssyncadd.s32 $0xFFFFF060  }
0x4e: {  	[tilespmem:s17], [sflag:$0x1] =	stream.indirect.gather [spmem:s2], $0x20, s30, s16, $0xb8;
	[tilespmem:$0x10D40] =	vst v63  }
0x4f: {  	_ =	swait.ge [sflag:s20], $0xFA0  }
0x50: {  	[sflag:s20] =	ssyncset.done $0x0  }
0x51: {  	s31 =	sadd.s32 $0x2880, s25;
	[sflag:s20] =	ssyncadd.s32 $0xFFFFF060  }
0x52: {  	[spmem:s3] =	stream.indirect.scatter.add.f32 [tilespmem:s18], [sflag:$0x3], $0x20, s31, s16, $0xb8;
	[tilespmem:$0x10D40] =	vst v63  }
0x53: {  	_ =	swait.ge [sflag:s11], $0xFA0  }
0x54: {  	[sflag:s11] =	ssyncset.done $0x0  }
0x55: {  	[sflag:s11] =	ssyncadd.s32 $0xFFFFF060  }
0x56: {  	[tilespmem:s18], [sflag:$0x2] =	stream.indirect.gather [spmem:s2], $0x20, s21, s16, $0xb8;
	[tilespmem:$0x10D40] =	vst v63  }
0x57: {  	_ =	swait.ge [sflag:s19], $0xFA0  }
0x58: {  	[sflag:s19] =	ssyncset.done $0x0  }
0x59: {  	[sflag:s19] =	ssyncadd.s32 $0xFFFFF060  }
0x5a: {  	[spmem:s3] =	stream.indirect.scatter.add.f32 [tilespmem:s17], [sflag:$0x3], $0x20, s22, s16, $0xb8;
	[tilespmem:$0x10D40] =	vst v63  }
0x5b: {  	_ =	swait.ge [sflag:s11], $0xFA0  }
0x5c: {  	[sflag:s11] =	ssyncset.done $0x0  }
0x5d: {  	[sflag:s11] =	ssyncadd.s32 $0xFFFFF060  }
0x5e: {  	_ =	swait.ge [sflag:s20], $0xFA0  }
0x5f: {  	[sflag:s20] =	ssyncset.done $0x0  }
0x60: {  	[sflag:s20] =	ssyncadd.s32 $0xFFFFF060  }
0x61: {  	[spmem:s3] =	stream.indirect.scatter.add.f32 [tilespmem:s18], [sflag:$0x3], $0x20, s23, s16, $0xb8;
	[tilespmem:$0x10D40] =	vst v63  }
0x62: {  	_ =	swait.ge [sflag:s11], $0xFA0  }
0x63: {  	s24 =	sadd.s32 $0x1, s24;
	[sflag:s11] =	ssyncset.done $0x0  }
0x64: {  	p0 =	sne.s32 s24, s10;
	[sflag:s11] =	ssyncadd.s32 $0xFFFFF060  }
.Ltmp1:
0x65: {  	[bflag:$0x0] =	sbarrier.arrive $0xFFFF;
	(pc) =	sbr.rel @p0 .LBB2_1-.Ltmp1, $4  }
0x66: {  	[hbm:s9], [sflag:s13] =	dma.local [spmem:s15], $0x9E0  }
0x67: {  	_ =	swait.ge [sflag:s11], $0x9E0  }
0x68: {  	[sflag:s11] =	ssyncset.done $0x0  }
0x69: {  	[sflag:s11] =	ssyncadd.s32 $0xFFFFF620  }
0x6a: {  	_ =	sfence.sel $0x180000  }
0x6b: {  	[bflag:$0x0] =	sbarrier.arrive $0xFFFF  }
0x6c: {  	p0 =	sne.s32 s0, $0x0;
	_ =	strace $0x9000004D  }
0x6d: {  	s0 =	sadd.s32 @!p0 $0x100000, s1;
	[bflag:$0x2] =	sbarrier.arrive $0xFFFF  }
0x6e: {  	[sflag:s0] =	ssyncadd.tile.s32 @!p0 $0x1;
	_ =	shalt  }
.Lfunc_end2:
_tile_overlayer_lowered:
.L_overlay_start_2:
0x6f: {  	(tag) =	ssettag $0x2  }
0x70: {  	s0 =	rddreg [dreg:$0x0];
	s2 =	stileid.u32  }
0x71: {  	s1 =	rddreg [dreg:$0x1];
	p0 =	sne.s32 s2, $0x0  }
0x72: {  	s3 =	rddreg [dreg:$0x2];
	[bflag:$0x3] =	sbarrier.arrive $0xFFFF;
	s2 =	simm.s32 @!p0 $0x1C03  }
0x73: {  	[timem:s3], [sflag:s2] =	dma.local @!p0 [hbm:s0], s1  }
0x74: {  	s0 =	simm.s32 @!p0 $0x3  }
0x75: {  	_ =	swait.ge @!p0 [sflag:s0], s1  }
0x76: {  	s1 =	ssub.s32 @!p0 $0x0, s1;
	[sflag:s0] =	ssyncset.done @!p0 $0x0  }
0x77: {  	[sflag:s0] =	ssyncadd.s32 @!p0 s1  }
0x78: {  	[bflag:$0x3] =	sbarrier.arrive $0xFFFF  }
0x79: {  	_ =	shalt  }

// kernel: kernel.8.cloned.1.call-start
scs
__scs_entry_jumppad:
0x0: {  	(pc) =	sbr.rel $0x88, $3  }
0x1: {  	(tag) =	ssettag $0x0;
	lr =	simm.s32 $0x1  }
0x2: {  	[smem:$0x3F98] =	sst lr;
	_ =	strace $0xD0000000  }
0x3: {  	_ = 	snop  }
0x4: {  	_ = 	snop  }
0x5: {  	_ = 	snop  }
0x6: {  	_ = 	snop  }
0x7: {  	_ = 	snop  }
__scs_overlays_trampoline_lowered:
0x8: {  	[smem:$0x3FA7] =	sst s0  }
0x9: {  	[smem:$0x3FA8] =	sst s1  }
0xa: {  	[smem:$0x3FA9] =	sst s2  }
0xb: {  	[smem:$0x3FAA] =	sst s3  }
0xc: {  	[smem:$0x3FAB] =	sst s4  }
0xd: {  	[smem:$0x3FAC] =	sst s5  }
0xe: {  	[smem:$0x3FAD] =	sst s6  }
0xf: {  	[smem:$0x3FAE] =	sst s7  }
0x10: {  	[smem:$0x3FAF] =	sst s8  }
0x11: {  	[smem:$0x3FB0] =	sst s9;
	s0 =	simm.s32 @!p0 $0x0  }
0x12: {  	s1 =	sld [smem:$0x3F96];
	s0 =	simm.s32 @p0 $0x1  }
0x13: {  	[smem:$0x3FB1] =	sst s0;
	s0 =	simm.s32 @!p1 $0x0  }
0x14: {  	s2 =	sld [smem:$0x3F95];
	s0 =	simm.s32 @p1 $0x1  }
0x15: {  	[smem:$0x3FB2] =	sst s0;
	s0 =	simm.s32 @!p2 $0x0  }
0x16: {  	s3 =	sld [smem:$0x3FDB];
	s0 =	simm.s32 @p2 $0x1  }
0x17: {  	s4 =	simm.s32 $0x1BF5;
	[smem:$0x3FB4] =	sst s0  }
0x18: {  	s0 =	sld [smem:$0x3F97];
	_ =	swait.ge [sflag:s4], $0x0  }
0x19: {  	s7 =	sld [smem:$0x3F98]  }
0x1a: {  	s8 =	sadd.s32 $0xFFFFE003, lr  }
0x1b: {  	s9 =	sadd.s32 $0xFFFFFEF7, lr;
	s5 =	simm.s32 $0xFFFFFFFF;
	p2 =	slt.u32 s8, $0xFFFFF086  }
0x1c: {  	p1 =	slt.u32 s9, $0xF7A;
	s5 =	simm.s32 @!p2 $0x0  }
0x1d: {  	s5 =	simm.s32 @p1 $0x1;
	p0 =	seq.s32 s7, s2  }
0x1e: {  	s7 =	smul.u32 @!p0 $0xF7A, s2;
	p2 =	seq.s32 @!p0 s5, $0x0  }
0x1f: {  	s9 =	smul.u32 $0xF7A, s1;
	s8 =	simm.s32 @!p0 $0x1BF5;
	p2 =	por !p2, p0  }
0x20: {  	[sflag:s8] =	ssyncset.s32 @!p0 $0xFFFFF086;
	s6 =	sadd.s32 @!p0 s3, s7;
	s7 =	simm.s32 @!p0 $0x108  }
0x21: {  	s3 =	sadd.s32 s3, s9;
	s6 =	sadd.s32 @!p0 $0x88, s6;
	s7 =	simm.s32 @p2 $0x1082  }
0x22: {  	[simem:s7], [sflag:s8] =	dma.local @!p0 [hbm:s6], $0xF7A  }
0x23: {  	s9 =	sor.u32 $0xD0000000, s2;
	s6 =	simm.s32 $0x108;
	_ =	swait.ge @!p0 [sflag:s8], $0x0  }
0x24: {  	s3 =	sadd.s32 $0x88, s3;
	s6 =	simm.s32 @!p1 $0x1082;
	[sflag:s4] =	ssyncset.s32 $0xFFFFF086  }
0x25: {  	[simem:s6], [sflag:s4] =	dma.local [hbm:s3], $0xF7A  }
0x26: {  	[smem:$0x3F98] =	sst s1;
	(tag) =	ssettag s2;
	_ =	strace s9  }
0x27: {  	s1 =	sld [smem:$0x3FA8]  }
0x28: {  	s2 =	sld [smem:$0x3FA9]  }
0x29: {  	s4 =	sld [smem:$0x3FAB]  }
0x2a: {  	p0 =	seq.s32 s5, $0x0;
	s5 =	sld [smem:$0x3FAC]  }
0x2b: {  	s6 =	sld [smem:$0x3FAD]  }
0x2c: {  	s7 =	sld [smem:$0x3FAE]  }
0x2d: {  	s3 =	simm.s32 $0x108;
	s8 =	sld [smem:$0x3FAF]  }
0x2e: {  	s3 =	simm.s32 @!p0 $0x1082;
	s9 =	sld [smem:$0x3FB0]  }
0x2f: {  	lr =	sadd.s32 s0, s3;
	s0 =	sld [smem:$0x3FA7]  }
0x30: {  	s3 =	sld [smem:$0x3FAA]  }
0x31: {  	[smem:$0x3FB3] =	sst s10  }
0x32: {  	s10 =	sld [smem:$0x3FB1];
	_ =	sdelay $0x3  }
0x33: {  	p0 =	seq.s32 s10, $0x1;
	s10 =	sld [smem:$0x3FB3];
	_ =	sdelay $0x3  }
0x34: {  	[smem:$0x3FB3] =	sst s10  }
0x35: {  	s10 =	sld [smem:$0x3FB2];
	_ =	sdelay $0x3  }
0x36: {  	p1 =	seq.s32 s10, $0x1;
	s10 =	sld [smem:$0x3FB3];
	_ =	sdelay $0x3  }
0x37: {  	[smem:$0x3FB3] =	sst s10  }
0x38: {  	s10 =	sld [smem:$0x3FB4]  }
0x39: {  	_ = 	snop;
	(pc) =	sbr.ind lr, $3  }
0x3a: {  	_ = 	snop  }
0x3b: {  	_ = 	snop  }
0x3c: {  	p2 =	seq.s32 s10, $0x1;
	s10 =	sld [smem:$0x3FB3]  }
0x3d: {  	_ =	shalt  }
0x3e: {  	_ =	shalt  }
0x3f: {  	_ =	shalt  }
0x40: {  	_ =	shalt  }
0x41: {  	_ =	shalt  }
0x42: {  	_ =	shalt  }
0x43: {  	_ =	shalt  }
0x44: {  	_ =	shalt  }
0x45: {  	_ =	shalt  }
0x46: {  	_ =	shalt  }
0x47: {  	_ =	shalt  }
0x48: {  	_ =	shalt  }
0x49: {  	_ =	shalt  }
0x4a: {  	_ =	shalt  }
0x4b: {  	_ =	shalt  }
0x4c: {  	_ =	shalt  }
0x4d: {  	_ =	shalt  }
0x4e: {  	_ =	shalt  }
0x4f: {  	_ =	shalt  }
0x50: {  	_ =	shalt  }
0x51: {  	_ =	shalt  }
0x52: {  	_ =	shalt  }
0x53: {  	_ =	shalt  }
0x54: {  	_ =	shalt  }
0x55: {  	_ =	shalt  }
0x56: {  	_ =	shalt  }
0x57: {  	_ =	shalt  }
0x58: {  	_ =	shalt  }
0x59: {  	_ =	shalt  }
0x5a: {  	_ =	shalt  }
0x5b: {  	_ =	shalt  }
0x5c: {  	_ =	shalt  }
0x5d: {  	_ =	shalt  }
0x5e: {  	_ =	shalt  }
0x5f: {  	_ =	shalt  }
0x60: {  	_ =	shalt  }
0x61: {  	_ =	shalt  }
0x62: {  	_ =	shalt  }
0x63: {  	_ =	shalt  }
0x64: {  	_ =	shalt  }
0x65: {  	_ =	shalt  }
0x66: {  	_ =	shalt  }
0x67: {  	_ =	shalt  }
0x68: {  	_ =	shalt  }
0x69: {  	_ =	shalt  }
0x6a: {  	_ =	shalt  }
0x6b: {  	_ =	shalt  }
0x6c: {  	_ =	shalt  }
0x6d: {  	_ =	shalt  }
0x6e: {  	_ =	shalt  }
0x6f: {  	_ =	shalt  }
0x70: {  	_ =	shalt  }
0x71: {  	_ =	shalt  }
0x72: {  	_ =	shalt  }
0x73: {  	_ =	shalt  }
0x74: {  	_ =	shalt  }
0x75: {  	_ =	shalt  }
0x76: {  	_ =	shalt  }
0x77: {  	_ =	shalt  }
0x78: {  	_ =	shalt  }
0x79: {  	_ =	shalt  }
0x7a: {  	_ =	shalt  }
0x7b: {  	_ =	shalt  }
0x7c: {  	_ =	shalt  }
0x7d: {  	_ =	shalt  }
0x7e: {  	_ =	shalt  }
0x7f: {  	_ =	shalt  }
0x80: {  	_ =	shalt  }
0x81: {  	_ =	shalt  }
0x82: {  	_ =	shalt  }
0x83: {  	_ =	shalt  }
0x84: {  	_ =	shalt  }
0x85: {  	_ =	shalt  }
0x86: {  	_ =	shalt  }
0x87: {  	_ =	shalt  }
.Lfunc_end0:
.L_simem_size_0:
called_computation_lowered:
.L_overlay_start_0:
0x88: {  	s2 =	sld [smem:$0x3FD9]  }
0x89: {  	s3 =	sld [smem:$0x3FFE];
	_ =	sdelay $0x1  }
0x8a: {  	s1 =	srdreg.scid  }
0x8b: {  	s0 =	sand.u32 $0x1, s1  }
0x8c: {  	s17 =	sshll.u32 s0, $0xA;
	s2 =	sadd.s32 s3, s2  }
0x8d: {  	s2 =	sadd.s32 s2, s17  }
0x8e: {  	[smem:$0x3FBF] =	sst s2  }
0x8f: {  	_ = 	snop  }
0x90: {  	s2 =	sld [smem:$0x3FD0];
	(tm) =	ssettm $0x1  }
0x91: {  	s18 =	sld [smem:$0x3FFB];
	_ =	sdelay $0x3  }
0x92: {  	_ =	strace s18  }
0x93: {  	s3 =	sld [smem:$0x3FFC];
	_ =	sdelay $0x3  }
0x94: {  	_ =	strace s3  }
0x95: {  	s3 =	sld [smem:$0x3FFD];
	_ =	sdelay $0x3  }
0x96: {  	_ =	strace s3  }
0x97: {  	_ =	strace $0x8FFFFFFF  }
0x98: {  	s19 =	sld [smem:$0x3FDB];
	_ =	sdelay $0x1  }
0x99: {  	s4 =	simm.s32 $_scs_section_size  }
0x9a: {  	s5 =	simm.s32 $_size__tile_overlayer_lowered;
	s6 =	simm.s32 $_tile_overlayer_lowered  }
0x9b: {  	s22 =	simm.s32 $0x1BFF;
	s21 =	sshll.u32 s6, $0x1;
	s3 =	sadd.s32 s4, s19  }
0x9c: {  	s7 =	simm.s32 $0x0;
	s20 =	sshll.u32 s5, $0x1;
	s5 =	sadd.s32 s21, s3  }
0x9d: {  	[timem:s7], [sflag:s22] =	dma.local [hbm:s5], s20  }
0x9e: {  	_ =	swait.ge [sflag:s22], s20  }
0x9f: {  	s4 =	ssub.s32 $0x0, s20;
	[sflag:s22] =	ssyncset.done $0x0  }
0xa0: {  	[sflag:s22] =	ssyncadd.s32 s4;
	_ =	sdelay $0x1  }
0xa1: {  	s23 =	simm.s32 $0x1B8B  }
0xa2: {  	_ =	swait.ge [sflag:s23], $0x1  }
0xa3: {  	[sflag:s23] =	ssyncset.done $0x0  }
0xa4: {  	s25 =	simm.s32 $0x1B8E;
	s24 =	sld [smem:$0x3FFE];
	[sflag:s23] =	ssyncadd.s32 $0xFFFFFFFF  }
0xa5: {  	s26 =	simm.s32 $execute0_lowered;
	[smem:$0x3FD2] =	sst s25  }
0xa6: {  	s5 =	sshll.u32 s26, $0x1;
	_ =	strace $0x80000046;
	[dreg:$0x1] =	wrdreg $0xFFFFFFFF  }
0xa7: {  	s28 =	simm.s32 $_size_execute0_lowered;
	s3 =	sadd.s32 s3, s5;
	[dreg:$0x0] =	wrdreg $0x0  }
0xa8: {  	s5 =	sshll.u32 s28, $0x1;
	[dreg:$0x2] =	wrdreg s3  }
0xa9: {  	[dreg:$0x3] =	wrdreg s5  }
0xaa: {  	[dreg:$0x4] =	wrdreg $0xC0  }
0xab: {  	_ =	task [dreg:s7], $0x5FFFF  }
0xac: {  	[dreg:$0x1] =	wrdreg $0xFFFFFFFF  }
0xad: {  	[dreg:$0x0] =	wrdreg $0x60  }
0xae: {  	[dreg:$0x2] =	wrdreg s24  }
0xaf: {  	[dreg:$0x3] =	wrdreg s2  }
0xb0: {  	[dreg:$0x4] =	wrdreg $0x2BE80  }
0xb1: {  	[dreg:$0x5] =	wrdreg $0x9  }
0xb2: {  	_ =	task.clear_ibuf [dreg:s7], $0x6FFFF;
	_ =	strace $0x90000046  }
0xb3: {  	s29 =	simm.s32 $0x9;
	_ =	strace $0x80000048  }
0xb4: {  	_ =	swait.ge [sflag:s29], $0x1  }
0xb5: {  	[sflag:s29] =	ssyncadd.s32 $0xFFFFFFFF  }
0xb6: {  	_ =	strace $0x90000048  }
0xb7: {  	_ =	sfence  }
0xb8: {  	s30 =	sld [smem:$0x0];
	_ =	sdelay $0x2  }
0xb9: {  	s31 =	sshll.u32 s1, $0xD;
	s1 =	sshrl.u32 s1, $0x2  }
0xba: {  	s3 =	sand.u32 $0x4000, s31;
	s1 =	sadd.s32 s1, s30  }
0xbb: {  	s0 =	sor.u32 s3, s0;
	s1 =	sshll.u32 s1, $0x11  }
0xbc: {  	s0 =	sor.u32 s1, s0  }
0xbd: {  	s0 =	sadd.s32 $0x8F2B, s0  }
0xbe: {  	[sflag:s0] =	ssyncadd.remote.s32 $0x1  }
0xbf: {  	_ =	sfence.sel $0xFFFF  }
0xc0: {  	[dreg:$0x0] =	wrdreg $0xFFFFFFFF;
	(pc) =	sbr.abs _section_cstart, $3  }
0xc1: {  	[dreg:$0x1] =	wrdreg $0xFFFFFFFF  }
0xc2: {  	_ =	task.clear_ibuf [dreg:s7], $0x2FFFF;
	_ =	strace $0x9FFFFFFF  }
0xc3: {  	(tm) =	ssettm $0x7FFFFFFF  }
tec
execute0_lowered:
.L_overlay_start_1:
0x0: {  	(tag) =	ssettag $0x1  }
0x1: {  	s5 =	rddreg [dreg:$0x0]  }
0x2: {  	s1 =	srdreg.scid;
	s2 =	rddreg [dreg:$0x1]  }
0x3: {  	s0 =	stileid.u32;
	s3 =	rddreg [dreg:$0x2];
	s4 =	simm.s32 $0x0  }
0x4: {  	s13 =	simm.s32 $0x7D;
	s14 =	simm.s32 $0x0;
	s6 =	sand.u32 $0x1, s1  }
0x5: {  	s30 =	sshll.u32 s0, $0x1;
	s8 =	smul.u32 $0x13C0, s0;
	[smem:$0x7FF] =	sst s4  }
0x6: {  	s31 =	sshll.u32 s0, $0x6;
	s1 =	sor.u32 s6, s30;
	s9 =	smul.u32 $0x13C00, s6  }
0x7: {  	s6 =	ssub.s32 $0x2, s6;
	s7 =	smul.u32 $0x500, s1;
	s1 =	rddreg [dreg:$0x3]  }
0x8: {  	_ =	strace $0x80000047;
	s10 =	sshrl.u32 s8, $0x3;
	s11 =	sshrl.u32 s6, $0x1  }
0x9: {  	s12 =	sadd.s32 s8, s3;
	s9 =	sadd.s32 s8, s9;
	s10 =	sadd.s32 s10, s5  }
0xa: {  	s11 =	ssub.s32 s6, s11;
	s12 =	sshrl.u32 s12, $0x3;
	s7 =	sadd.s32 s7, s5  }
0xb: {  	s9 =	sshrl.u32 s9, $0x3;
	s6 =	sadd.s32 $0xC000, s10;
	s8 =	smax.u32 s11, $0x1  }
0xc: {  	s10 =	simm.s32 $0x2800;
	s11 =	sor.u32 $0x1C01, s31;
	s9 =	sadd.s32 s9, s5  }
0xd: {  	s5 =	sadd.s32 $0x2000, s7;
	s7 =	sadd.s32 $0xE800, s9;
	s9 =	simm.s32 $0x1  }
.LBB2_1:
0xe: {  	[tilespmem:s4], [sflag:$0x1] =	stream.linear.gather [hbm4b:s5+s4], $0x2800, $0x38;
	[tilespmem:$0x3FA8] =	vst v63  }
0xf: {  	_ =	swait.ge [sflag:s9], $0x2800  }
0x10: {  	[sflag:s9] =	ssyncset.done $0x0  }
0x11: {  	[sflag:s9] =	ssyncadd.s32 $0xFFFFD800  }
0x12: {  	[tilespmem:s10], [sflag:$0x1] =	stream.linear.gather [hbm4b:s2+s4], $0x3E8, $0x38;
	[tilespmem:$0x3FA8] =	vst v63  }
0x13: {  	_ =	swait.ge [sflag:s9], $0x3E8  }
0x14: {  	[sflag:s9] =	ssyncset.done $0x0  }
0x15: {  	[sflag:s9] =	ssyncadd.s32 $0xFFFFFC18  }
0x16: {  	[spmem:s12], [sflag:s11] =	dma.local [hbm:s6], $0x278  }
0x17: {  	_ =	swait.ge [sflag:s9], $0x278  }
0x18: {  	[sflag:s9] =	ssyncset.done $0x0  }
0x19: {  	[sflag:s9] =	ssyncadd.s32 $0xFFFFFD88  }
0x1a: {  	s15 =	simm.s32 $0x0;
	[bflag:$0x0] =	sbarrier.arrive $0xFFFF  }
0x1b: {  	[spmem:s3] =	stream.indirect.scatter.add.f32 [tilespmem:s10], [sflag:$0x1], $0x8, s15, s13, $0xb8;
	[tilespmem:$0x3FA8] =	vst v63  }
0x1c: {  	_ =	swait.ge [sflag:s9], $0x3E8  }
0x1d: {  	s15 =	simm.s32 $0x200;
	[sflag:s9] =	ssyncset.done $0x0  }
.LBB2_2:
0x1e: {  	s16 =	sshra.s32 s15, $0x2;
	[sflag:s9] =	ssyncadd.s32 $0xFFFFFC18;
	p0 =	sne.s32 s15, $0x9E00  }
0x1f: {  	[spmem:s3] =	stream.indirect.scatter.add.f32 [tilespmem:s10], [sflag:$0x1], $0x8, s16, s13, $0xb8;
	[tilespmem:$0x3FA8] =	vst v63  }
.Ltmp0:
0x20: {  	_ = 	snop;
	(pc) =	sbr.rel @p0 .LBB2_2-.Ltmp0, $4  }
0x21: {  	_ = 	snop  }
0x22: {  	s15 =	sadd.s32 $0x200, s15  }
0x23: {  	_ =	swait.ge [sflag:s9], $0x3E8  }
0x24: {  	[sflag:s9] =	ssyncset.done $0x0  }
0x25: {  	s14 =	sadd.s32 $0x1, s14  }
0x26: {  	[sflag:s9] =	ssyncadd.s32 $0xFFFFFC18;
	p0 =	sne.s32 s14, s8  }
.Ltmp1:
0x27: {  	[bflag:$0x0] =	sbarrier.arrive $0xFFFF;
	(pc) =	sbr.rel @p0 .LBB2_1-.Ltmp1, $4  }
0x28: {  	[hbm:s7], [sflag:s11] =	dma.local [spmem:s12], $0x278  }
0x29: {  	_ =	swait.ge [sflag:s9], $0x278  }
0x2a: {  	[sflag:s9] =	ssyncset.done $0x0  }
0x2b: {  	[sflag:s9] =	ssyncadd.s32 $0xFFFFFD88  }
0x2c: {  	_ =	sfence.sel $0x180000  }
0x2d: {  	[bflag:$0x0] =	sbarrier.arrive $0xFFFF  }
0x2e: {  	p0 =	sne.s32 s0, $0x0;
	_ =	strace $0x90000047  }
0x2f: {  	s0 =	sadd.s32 @!p0 $0x100000, s1;
	[bflag:$0x2] =	sbarrier.arrive $0xFFFF  }
0x30: {  	[sflag:s0] =	ssyncadd.tile.s32 @!p0 $0x1;
	_ =	shalt  }
.Lfunc_end2:
_tile_overlayer_lowered:
.L_overlay_start_2:
0x31: {  	(tag) =	ssettag $0x2  }
0x32: {  	s0 =	rddreg [dreg:$0x0];
	s2 =	stileid.u32  }
0x33: {  	s1 =	rddreg [dreg:$0x1];
	p0 =	sne.s32 s2, $0x0  }
0x34: {  	s3 =	rddreg [dreg:$0x2];
	[bflag:$0x3] =	sbarrier.arrive $0xFFFF;
	s2 =	simm.s32 @!p0 $0x1C01  }
0x35: {  	[timem:s3], [sflag:s2] =	dma.local @!p0 [hbm:s0], s1  }
0x36: {  	s0 =	simm.s32 @!p0 $0x1  }
0x37: {  	_ =	swait.ge @!p0 [sflag:s0], s1  }
0x38: {  	s1 =	ssub.s32 @!p0 $0x0, s1;
	[sflag:s0] =	ssyncset.done @!p0 $0x0  }
0x39: {  	[sflag:s0] =	ssyncadd.s32 @!p0 s1  }
0x3a: {  	[bflag:$0x3] =	sbarrier.arrive $0xFFFF  }
0x3b: {  	_ =	shalt  }

</sc_bundles>
